<compile_context>
chip_gen: v7x
topology: tpu7x:2x2x1
jax: 0.10.2.dev20260603
libtpu: 0.0.44.dev20260713+nightly
codegen_flags: <defaults>
</compile_context>

<pallas_src>
import functools
import numpy as np
import jax
from jax import lax
import jax.numpy as jnp
from jax.experimental import pallas as pl
from jax.experimental.pallas import tpu as pltpu
from jax.experimental.pallas import tpu_sc as plsc

_NR = 5000
_NRP = 5120
_NL = 20000
_NLP = 20480
_NLH = _NLP // 2
_K = 8
_T = 10
_RS = 128
_RL = 512
_LOG2PI = float(np.log(2.0 * np.pi))
_W_OCC = 0.2
_W_MDN = 1.0
_W_INT = 0.1
_PAD_S = 65535.0

_NG = 65536
_PER_W = _NG // 32



def _select_body(raug_ref, lmat_ref, prow_ref, idx_ref):
    lm = lmat_ref[...]
    rdl = jnp.dot(raug_ref[...], lm, preferred_element_type=jnp.float32)
    packed = prow_ref[...] + (rdl.astype(jnp.int32) << 15)

    a = packed[:, :_NLH]
    b = packed[:, _NLH:]
    rmin = jnp.minimum(a, b)
    pmax = jnp.maximum(a, b)
    imax = jnp.int32(2147483647)
    for t in range(_T):
        m = jnp.min(rmin, axis=1, keepdims=True)
        idx_ref[:, t:t + 1] = m & 32767
        pos = rmin == m
        rmin = jnp.where(pos, pmax, rmin)
        pmax = jnp.where(pos, imax, pmax)


def _select(raug, lmat, prow):
    return pl.pallas_call(
        _select_body,
        grid=(_NRP // _RS,),
        in_specs=[
            pl.BlockSpec((_RS, 8), lambda i: (i, 0)),
            pl.BlockSpec((8, _NLP), lambda i: (0, 0)),
            pl.BlockSpec((1, _NLP), lambda i: (0, 0)),
        ],
        out_specs=pl.BlockSpec((_RS, 16), lambda i: (i, 0)),
        out_shape=jax.ShapeDtypeStruct((_NRP, 16), jnp.int32),
    )(raug, lmat, prow)



def _sc_gather_body(table_hbm, idx_hbm, out_hbm, idx_v, rows_v, sem):
    wid = lax.axis_index("s") * 2 + lax.axis_index("c")
    pltpu.sync_copy(idx_hbm.at[pl.ds(wid * _PER_W, _PER_W)], idx_v)
    pltpu.async_copy(table_hbm.at[idx_v], rows_v, sem).wait()
    pltpu.sync_copy(rows_v, out_hbm.at[pl.ds(wid * _PER_W, _PER_W)])


@functools.cache
def _sc_gather():
    return pl.kernel(
        _sc_gather_body,
        mesh=plsc.VectorSubcoreMesh(core_axis_name="c", subcore_axis_name="s"),
        out_type=jax.ShapeDtypeStruct((_NG, 32), jnp.float32),
        scratch_types=[
            pltpu.VMEM((_PER_W,), jnp.int32),
            pltpu.VMEM((_PER_W, 32), jnp.float32),
            pltpu.SemaphoreType.DMA,
        ],
        compiler_params=pltpu.CompilerParams(use_tc_tiling_on_sc=False),
    )


def _gather_rows(table, idx1d):
    return _sc_gather()(table, idx1d)



def _loss_body(part_ref, gatht_ref, out_ref):
    i = pl.program_id(0)

    @pl.when(i == 0)
    def _init():
        out_ref[...] = jnp.zeros((1, 1), jnp.float32)

    par = part_ref[...]
    mu = (par[0:8, :], par[8:16, :], par[16:24, :])
    ls = (par[24:32, :], par[32:40, :], par[40:48, :])
    mix = par[48:56, :]
    occ = par[56:64, :]
    mui = par[64:72, :]
    rp = (par[72:73, :], par[73:74, :], par[74:75, :])

    col = jax.lax.broadcasted_iota(jnp.int32, (1, _RL), 1) + i * _RL
    rowm = (col < _NR).astype(jnp.float32)

    inv_s2 = tuple(1.0 / (jnp.exp(2.0 * l) + 1e-12) for l in ls)
    mmax = jnp.max(mix, axis=0, keepdims=True)
    lpi = mix - mmax - jnp.log(jnp.sum(jnp.exp(mix - mmax), axis=0,
                                       keepdims=True))

    g = gatht_ref[...]
    mdn_vec = jnp.zeros((1, _RL), jnp.float32)
    int_vec = jnp.zeros((1, _RL), jnp.float32)
    for t in range(_T):
        b = 32 * t
        gt_int = (g[b + 3:b + 4, :] + g[b + 7:b + 8, :]
                  + g[b + 11:b + 12, :] + g[b + 15:b + 16, :]) * 0.25
        y = (g[b + 18:b + 19, :] - rp[2],
             g[b + 17:b + 18, :] - rp[1],
             g[b + 16:b + 17, :] - rp[0])
        quad = sum(((y[d] - mu[d]) ** 2) * inv_s2[d] + 2.0 * ls[d]
                   for d in range(3))
        lmix = -0.5 * (quad + 3.0 * _LOG2PI) + lpi
        mx = jnp.max(lmix, axis=0, keepdims=True)
        e = jnp.exp(lmix - mx)
        se = jnp.sum(e, axis=0, keepdims=True)
        mdn_vec += mx + jnp.log(se)
        int_vec += jnp.sum(e * jnp.abs(mui - gt_int), axis=0, keepdims=True) / se

    occ_any = jnp.max(occ, axis=0, keepdims=True)
    z = -occ_any
    occ_vec = jnp.maximum(z, 0.0) + jnp.log(1.0 + jnp.exp(-jnp.abs(z)))

    total = ((_W_OCC / _NR) * jnp.sum(occ_vec * rowm)
             + (-_W_MDN / (_NR * _T)) * jnp.sum(mdn_vec * rowm)
             + (_W_INT / (_NR * _T * _K)) * jnp.sum(int_vec * rowm))
    out_ref[...] += jnp.reshape(total, (1, 1))


def _loss(part, gatht):
    return pl.pallas_call(
        _loss_body,
        grid=(_NRP // _RL,),
        in_specs=[
            pl.BlockSpec((80, _RL), lambda i: (0, i)),
            pl.BlockSpec((32 * _T, _RL), lambda i: (0, i)),
        ],
        out_specs=pl.BlockSpec((1, 1), lambda i: (0, 0)),
        out_shape=jax.ShapeDtypeStruct((1, 1), jnp.float32),
    )(part, gatht)



def kernel(mu_off, log_sig_off, mu_int, occ_logit, mix_logit,
           radar_indices, radar_features, lidar_indices, lidar_features):
    rpos = radar_indices[:, 1:].astype(jnp.float32)
    lpos = lidar_indices[:, 1:].astype(jnp.float32)
    padc = _NLP - _NL

    raug = jnp.concatenate(
        [-2.0 * rpos, jnp.zeros((_NR, 5), jnp.float32)], axis=1)
    raug = jnp.pad(raug, ((0, _NRP - _NR), (0, 0)))

    lmat = jnp.concatenate([
        jnp.pad(lpos.T, ((0, 0), (0, padc))),
        jnp.zeros((5, _NLP), jnp.float32),
    ], axis=0)

    lsq = (lpos * lpos).sum(axis=1)
    lsq = jnp.pad(lsq, (0, padc), constant_values=_PAD_S)
    prow = (lsq.astype(jnp.int32) << 15) + jnp.arange(_NLP, dtype=jnp.int32)
    prow = prow[None, :]

    nn_idx = _select(raug, lmat, prow)

    table = jnp.concatenate([
        lidar_features, lpos, jnp.zeros((_NL, 13), jnp.float32),
    ], axis=1)
    idx_flat = nn_idx[:_NR, :_T].reshape(_NR * _T)
    idx1d = jnp.pad(idx_flat, (0, _NG - _NR * _T))

    gath = _gather_rows(table, idx1d)
    gath = gath[:_NR * _T].reshape(_NR, 32 * _T)
    gatht = jnp.pad(gath, ((0, _NRP - _NR), (0, 0))).T

    mu_t = mu_off.transpose(0, 2, 1).reshape(_NR, 24)
    ls_t = log_sig_off.transpose(0, 2, 1).reshape(_NR, 24)
    par = jnp.concatenate([
        mu_t, ls_t,
        mix_logit[..., 0], occ_logit[..., 0], mu_int[..., 0],
        rpos, jnp.zeros((_NR, 5), jnp.float32),
    ], axis=1)
    part = jnp.pad(par, ((0, _NRP - _NR), (0, 0))).T

    out = _loss(part, gatht)
    return out[0, 0]

# --- scband reference (transcript-rebuilt; emitter-appended) ---
"""Pipeline reference for scband-synth-local-loss-mdn-8589934592313 (READ-ONLY COPY).

The authoritative reference and input builder live on the scoring server;
editing this copy changes nothing except your own understanding.
"""

import jax, jax.numpy as jnp
import numpy as np

NR = 5000
NL = 20000
K = 8
C_LIDAR = 16
GRID = 128
GT_TOPK = 10
W_OCC = 0.2
W_MDN = 1.0
W_INT = 0.1


def setup_inputs(seed: int = 0):
    key = jax.random.key(seed)
    ks = jax.random.split(key, 9)
    mu_off = jax.random.normal(ks[0], (NR, K, 3), dtype=jnp.float32)
    log_sig_off = jax.random.normal(ks[1], (NR, K, 3), dtype=jnp.float32)
    mu_int = jax.random.normal(ks[2], (NR, K, 1), dtype=jnp.float32)
    occ_logit = jax.random.normal(ks[3], (NR, K, 1), dtype=jnp.float32)
    mix_logit = jax.random.normal(ks[4], (NR, K, 1), dtype=jnp.float32)
    r_coords = jax.random.randint(ks[5], (NR, 3), 0, GRID, dtype=jnp.int32)
    radar_indices = jnp.concatenate([jnp.zeros((NR, 1), dtype=jnp.int32), r_coords], axis=1)
    radar_features = jax.random.normal(ks[6], (NR, 4), dtype=jnp.float32)
    l_coords = jax.random.randint(ks[7], (NL, 3), 0, GRID, dtype=jnp.int32)
    lidar_indices = jnp.concatenate([jnp.zeros((NL, 1), dtype=jnp.int32), l_coords], axis=1)
    lidar_features = jax.random.normal(ks[8], (NL, C_LIDAR), dtype=jnp.float32)
    return {
        'mu_off': mu_off, 'log_sig_off': log_sig_off, 'mu_int': mu_int,
        'occ_logit': occ_logit, 'mix_logit': mix_logit,
        'radar_indices': radar_indices, 'radar_features': radar_features,
        'lidar_indices': lidar_indices, 'lidar_features': lidar_features,
    }


def _bce_with_logits(x, y):
    return jnp.mean(y * jax.nn.softplus(-x) + (1.0 - y) * jax.nn.softplus(x))


def reference(mu_off, log_sig_off, mu_int, occ_logit, mix_logit,
              radar_indices, radar_features, lidar_indices, lidar_features):
    # --- local_match_closest_mdn (single batch: all batch ids are 0) ---
    r_pos = radar_indices[:, 1:].astype(jnp.float32)
    l_pos = lidar_indices[:, 1:].astype(jnp.float32)
    d2 = (r_pos ** 2).sum(-1, keepdims=True) + (l_pos ** 2).sum(-1)[None, :] - 2.0 * (r_pos @ l_pos.T)
    dist = jnp.sqrt(jnp.maximum(d2, 0.0))                      # (Nr, Nl)
    _, nn_idx = jax.lax.top_k(-dist, GT_TOPK)                  # smallest distances
    gt_feat = lidar_features[nn_idx]                           # (Nr, topk, C)
    offs = (lidar_indices[nn_idx, 1:] - radar_indices[:, None, 1:]).astype(jnp.float32)
    gt_offsets_zyx = offs
    matched = jnp.ones((NR,), dtype=jnp.float32)               # all radar voxels match
    gt_offsets_xyz = jnp.flip(gt_offsets_zyx, axis=-1)
    # --- occupancy loss ---
    occ_any_logit = occ_logit.squeeze(-1).max(axis=1)
    occ_loss = _bce_with_logits(occ_any_logit, matched)
    # --- MDN NLL (matched_mask all True -> full arrays) ---
    ml = mix_logit.squeeze(-1)                                 # (Nr, K)
    log_pi = jax.nn.log_softmax(ml, axis=1)
    y_ = gt_offsets_xyz[:, :, None, :]                         # (Nr, T, 1, 3)
    mu_ = mu_off[:, None, :, :]                                # (Nr, 1, K, 3)
    ls_ = log_sig_off[:, None, :, :]
    sigma2_ = jnp.exp(2.0 * ls_) + 1e-12
    log2pi = np.log(2.0 * np.pi)
    logN = -0.5 * (((y_ - mu_) ** 2) / sigma2_ + 2.0 * ls_ + log2pi).sum(axis=-1)  # (Nr, T, K)
    log_mix = logN + log_pi[:, None, :]
    logp = jax.scipy.special.logsumexp(log_mix, axis=-1)
    mdn_nll = -logp.mean()
    # --- intensity loss (C_lidar % 4 == 0) ---
    gt_pts = gt_feat.reshape(NR, GT_TOPK, C_LIDAR // 4, 4)
    gt_int = gt_pts[..., 3].mean(axis=2)                       # (Nr, T)
    log_post = logN + log_pi[:, None, :]
    r = jax.nn.softmax(log_post, axis=-1)                      # (Nr, T, K)
    pred_int = mu_int.squeeze(-1)[:, None, :]                  # (Nr, 1, K)
    int_loss = (r * jnp.abs(pred_int - gt_int[..., None])).mean()
    return W_OCC * occ_loss + W_MDN * mdn_nll + W_INT * int_loss


if False:  # reference __main__ guard neutralized (emitter)
    out = reference(**setup_inputs())
    print(out)

if __name__ == "__main__":
    import jax
    _d = setup_inputs()
    print(jax.jit(kernel)(*tuple(_d.values())))

</pallas_src>

<mosaic_0001>
#map = affine_map<(d0, d1) -> (0, 0)>
#map1 = affine_map<(d0, d1) -> (0)>
module attributes {stable_mosaic.version = 14 : i64} {
  func.func @_sc_gather_body(%arg0: i32, %arg1: i32, %arg2: memref<20000x32xf32, #tpu.memory_space<hbm>>, %arg3: memref<65536xi32, #tpu.memory_space<hbm>>, %arg4: memref<65536x32xf32, #tpu.memory_space<hbm>>, %arg5: memref<2048xi32, #tpu.memory_space<vmem>>, %arg6: memref<2048x32xf32, #tpu.memory_space<vmem>>, %arg7: memref<!tpu.dma_semaphore, #tpu.memory_space<semaphore_mem>>) attributes {dimension_semantics = [#tpu.dimension_semantics<core_parallel>, #tpu.dimension_semantics<subcore_parallel>], iteration_bounds = array<i64: 2, 16>, scalar_prefetch = 0 : i64, scratch_operands = 3 : i64, tpu.core_type = #tpu.core_type<sc_vector_subcore>, window_params = [{transform_indices = #map}, {transform_indices = #map1}, {transform_indices = #map}]} {
    %mul3A = arith.constant 2 : i32
    %mul3A_0 = arith.muli %arg1, %mul3A : i32
    %add3A = arith.addi %mul3A_0, %arg0 : i32
    %mul3A_1 = arith.constant 2048 : i32
    %mul3A_2 = arith.muli %add3A, %mul3A_1 : i32
    "tpu.region"() ({
      %run_scoped3A = tpu.sem_alloc : memref<!tpu.dma_semaphore, #tpu.memory_space<semaphore_mem>>
      %dma_start3A_9 = tpu.memref_slice %arg3[%mul3A_2] : memref<65536xi32, #tpu.memory_space<hbm>> -> memref<2048xi32, #tpu.memory_space<hbm>>
      %dma_start3A_10 = tpu.memref_slice %arg3[%mul3A_2] : memref<65536xi32, #tpu.memory_space<hbm>> -> memref<2048xi32, #tpu.memory_space<hbm>>
      tpu.enqueue_dma source(%dma_start3A_10 : memref<2048xi32, #tpu.memory_space<hbm>>) target(%arg5 : memref<2048xi32, #tpu.memory_space<vmem>>) target_semaphore(%run_scoped3A : memref<!tpu.dma_semaphore, #tpu.memory_space<semaphore_mem>>)
      %dma_wait3A_11 = tpu.memref_slice %arg3[%mul3A_2] : memref<65536xi32, #tpu.memory_space<hbm>> -> memref<2048xi32, #tpu.memory_space<hbm>>
      %dma_wait3A_12 = tpu.memref_slice %arg3[%mul3A_2] : memref<65536xi32, #tpu.memory_space<hbm>> -> memref<2048xi32, #tpu.memory_space<hbm>>
      tpu.wait_dma2 semaphore(%run_scoped3A : memref<!tpu.dma_semaphore, #tpu.memory_space<semaphore_mem>>) src(%dma_wait3A_12 : memref<2048xi32, #tpu.memory_space<hbm>>) dst(%arg5 : memref<2048xi32, #tpu.memory_space<vmem>>)
      tpu.yield
    }) : () -> ()
    %dma_start3A = arith.constant 0 : i32
    %dma_start3A_3 = arith.constant 0 : i32
    %dma_start3A_4 = tpu.memref_slice %arg2[%dma_start3A, %dma_start3A_3] : memref<20000x32xf32, #tpu.memory_space<hbm>> -> memref<20000x32xf32, #tpu.memory_space<hbm>>
    tpu.enqueue_indirect_dma source(%dma_start3A_4 : memref<20000x32xf32, #tpu.memory_space<hbm>>) target(%arg6 : memref<2048x32xf32, #tpu.memory_space<vmem>>) offsets(%arg5 : memref<2048xi32, #tpu.memory_space<vmem>>) semaphore(%arg7 : memref<!tpu.dma_semaphore, #tpu.memory_space<semaphore_mem>>)
    %dma_wait3A = arith.constant 0 : i32
    %dma_wait3A_5 = arith.constant 0 : i32
    %dma_wait3A_6 = tpu.memref_slice %arg2[%dma_wait3A, %dma_wait3A_5] : memref<20000x32xf32, #tpu.memory_space<hbm>> -> memref<20000x32xf32, #tpu.memory_space<hbm>>
    tpu.wait_indirect_dma semaphore(%arg7 : memref<!tpu.dma_semaphore, #tpu.memory_space<semaphore_mem>>) src(%dma_wait3A_6 : memref<20000x32xf32, #tpu.memory_space<hbm>>) dst(%arg6 : memref<2048x32xf32, #tpu.memory_space<vmem>>)
    %mul3A_7 = arith.constant 2048 : i32
    %mul3A_8 = arith.muli %add3A, %mul3A_7 : i32
    "tpu.region"() ({
      %run_scoped3A = tpu.sem_alloc : memref<!tpu.dma_semaphore, #tpu.memory_space<semaphore_mem>>
      %dma_start3A_9 = arith.constant 0 : i32
      %dma_start3A_10 = tpu.memref_slice %arg4[%mul3A_8, %dma_start3A_9] : memref<65536x32xf32, #tpu.memory_space<hbm>> -> memref<2048x32xf32, #tpu.memory_space<hbm>>
      %dma_start3A_11 = arith.constant 0 : i32
      %dma_start3A_12 = tpu.memref_slice %arg4[%mul3A_8, %dma_start3A_11] : memref<65536x32xf32, #tpu.memory_space<hbm>> -> memref<2048x32xf32, #tpu.memory_space<hbm>>
      tpu.enqueue_dma source(%arg6 : memref<2048x32xf32, #tpu.memory_space<vmem>>) target(%dma_start3A_12 : memref<2048x32xf32, #tpu.memory_space<hbm>>) target_semaphore(%run_scoped3A : memref<!tpu.dma_semaphore, #tpu.memory_space<semaphore_mem>>)
      %dma_wait3A_13 = arith.constant 0 : i32
      %dma_wait3A_14 = tpu.memref_slice %arg4[%mul3A_8, %dma_wait3A_13] : memref<65536x32xf32, #tpu.memory_space<hbm>> -> memref<2048x32xf32, #tpu.memory_space<hbm>>
      %dma_wait3A_15 = arith.constant 0 : i32
      %dma_wait3A_16 = tpu.memref_slice %arg4[%mul3A_8, %dma_wait3A_15] : memref<65536x32xf32, #tpu.memory_space<hbm>> -> memref<2048x32xf32, #tpu.memory_space<hbm>>
      tpu.wait_dma2 semaphore(%run_scoped3A : memref<!tpu.dma_semaphore, #tpu.memory_space<semaphore_mem>>) src(%arg6 : memref<2048x32xf32, #tpu.memory_space<vmem>>) dst(%dma_wait3A_16 : memref<2048x32xf32, #tpu.memory_space<hbm>>)
      tpu.yield
    }) : () -> ()
    return
  }
}

module attributes {stable_mosaic.version = 14 : i64} {
  func.func @_select_body(%arg0: i32, %arg1: memref<128x8xf32, #tpu.memory_space<vmem>>, %arg2: memref<8x20480xf32, #tpu.memory_space<vmem>>, %arg3: memref<1x20480xi32, #tpu.memory_space<vmem>>, %arg4: memref<128x16xi32, #tpu.memory_space<vmem>>) attributes {dimension_semantics = [#tpu.dimension_semantics<arbitrary>], iteration_bounds = array<i64: 40>, scalar_prefetch = 0 : i64, scratch_operands = 0 : i64, tpu.core_type = #tpu.core_type<tc>, window_params = [{transform_indices = @transform_0, window_bounds = array<i64: 128, 8>}, {pipeline_mode = #tpu.pipeline_mode<synchronous>, transform_indices = @transform_1, window_bounds = array<i64: 8, 20480>}, {pipeline_mode = #tpu.pipeline_mode<synchronous>, transform_indices = @transform_2, window_bounds = array<i64: 1, 20480>}, {transform_indices = @transform_3, window_bounds = array<i64: 128, 16>}]} {
    %get3A = arith.constant 0 : index
    %get3A_0 = arith.constant 0 : index
    %get3A_1 = vector.load %arg2[%get3A, %get3A_0] : memref<8x20480xf32, #tpu.memory_space<vmem>>, vector<8x20480xf32>
    %get3A_2 = arith.constant 0 : index
    %get3A_3 = arith.constant 0 : index
    %get3A_4 = vector.load %arg1[%get3A_2, %get3A_3] : memref<128x8xf32, #tpu.memory_space<vmem>>, vector<128x8xf32>
    %dot_general3A = arith.constant dense<0.000000e+00> : vector<128x20480xf32>
    %dot_general3A_5 = tpu.matmul %get3A_4, %get3A_1, %dot_general3A {dimension_numbers = #tpu.dot_dimension_numbers<[1], [0], [0], [1], [0, 0, 1, 1], [], []>, transpose_lhs_hint = false} : vector<128x8xf32>, vector<8x20480xf32>, vector<128x20480xf32> -> vector<128x20480xf32>
    %get3A_6 = arith.constant 0 : index
    %get3A_7 = arith.constant 0 : index
    %get3A_8 = vector.load %arg3[%get3A_6, %get3A_7] : memref<1x20480xi32, #tpu.memory_space<vmem>>, vector<1x20480xi32>
    %convert_element_type3A = arith.fptosi %dot_general3A_5 : vector<128x20480xf32> to vector<128x20480xi32>
    %shift_left3A = arith.constant 15 : i32
    %shift_left3A_9 = vector.broadcast %shift_left3A : i32 to vector<128x20480xi32>
    %shift_left3A_10 = arith.shli %convert_element_type3A, %shift_left3A_9 : vector<128x20480xi32>
    %add3A = vector.broadcast %get3A_8 : vector<1x20480xi32> to vector<128x20480xi32>
    %add3A_11 = arith.addi %add3A, %shift_left3A_10 : vector<128x20480xi32>
    %slice3A = vector.extract_strided_slice %add3A_11 {offsets = [0, 0], sizes = [128, 10240], strides = [1, 1]} : vector<128x20480xi32> to vector<128x10240xi32>
    %slice3A_12 = vector.extract_strided_slice %add3A_11 {offsets = [0, 10240], sizes = [128, 10240], strides = [1, 1]} : vector<128x20480xi32> to vector<128x10240xi32>
    %min3A = arith.minsi %slice3A, %slice3A_12 : vector<128x10240xi32>
    %max3A = arith.maxsi %slice3A, %slice3A_12 : vector<128x10240xi32>
    %reduce_min3A = arith.constant dense<2147483647> : vector<128xi32>
    %reduce_min3A_13 = vector.multi_reduction <minsi>, %min3A, %reduce_min3A [1] : vector<128x10240xi32> to vector<128xi32>
    %broadcast_in_dim3A = vector.shape_cast %reduce_min3A_13 : vector<128xi32> to vector<128x1xi32>
    %and3A = arith.constant 32767 : i32
    %and3A_14 = vector.broadcast %and3A : i32 to vector<128x1xi32>
    %and3A_15 = arith.andi %broadcast_in_dim3A, %and3A_14 : vector<128x1xi32>
    %swap3A = arith.constant 0 : index
    %swap3A_16 = arith.constant 0 : index
    %swap3A_17 = vector.load %arg4[%swap3A, %swap3A_16] : memref<128x16xi32, #tpu.memory_space<vmem>>, vector<128x1xi32>
    tpu.vector_store %arg4[%swap3A, %swap3A_16], %and3A_15 {strides = array<i32>} : memref<128x16xi32, #tpu.memory_space<vmem>>, vector<128x1xi32>,
    %eq3A = vector.broadcast %broadcast_in_dim3A : vector<128x1xi32> to vector<128x10240xi32>
    %eq3A_18 = arith.cmpi eq, %min3A, %eq3A : vector<128x10240xi32>
    %select_n3A = arith.select %eq3A_18, %max3A, %min3A : vector<128x10240xi1>, vector<128x10240xi32>
    %jit3A = arith.constant 2147483647 : i32
    %broadcast_in_dim3A_19 = vector.broadcast %jit3A : i32 to vector<128x10240xi32>
    %select_n3A_20 = arith.select %eq3A_18, %broadcast_in_dim3A_19, %max3A : vector<128x10240xi1>, vector<128x10240xi32>
    %reduce_min3A_21 = arith.constant dense<2147483647> : vector<128xi32>
    %reduce_min3A_22 = vector.multi_reduction <minsi>, %select_n3A, %reduce_min3A_21 [1] : vector<128x10240xi32> to vector<128xi32>
    %broadcast_in_dim3A_23 = vector.shape_cast %reduce_min3A_22 : vector<128xi32> to vector<128x1xi32>
    %and3A_24 = arith.constant 32767 : i32
    %and3A_25 = vector.broadcast %and3A_24 : i32 to vector<128x1xi32>
    %and3A_26 = arith.andi %broadcast_in_dim3A_23, %and3A_25 : vector<128x1xi32>
    %swap3A_27 = arith.constant 0 : index
    %swap3A_28 = arith.constant 1 : index
    %swap3A_29 = vector.load %arg4[%swap3A_27, %swap3A_28] : memref<128x16xi32, #tpu.memory_space<vmem>>, vector<128x1xi32>
    tpu.vector_store %arg4[%swap3A_27, %swap3A_28], %and3A_26 {strides = array<i32>} : memref<128x16xi32, #tpu.memory_space<vmem>>, vector<128x1xi32>,
    %eq3A_30 = vector.broadcast %broadcast_in_dim3A_23 : vector<128x1xi32> to vector<128x10240xi32>
    %eq3A_31 = arith.cmpi eq, %select_n3A, %eq3A_30 : vector<128x10240xi32>
    %select_n3A_32 = arith.select %eq3A_31, %select_n3A_20, %select_n3A : vector<128x10240xi1>, vector<128x10240xi32>
    %jit3A_33 = arith.constant 2147483647 : i32
    %broadcast_in_dim3A_34 = vector.broadcast %jit3A_33 : i32 to vector<128x10240xi32>
    %select_n3A_35 = arith.select %eq3A_31, %broadcast_in_dim3A_34, %select_n3A_20 : vector<128x10240xi1>, vector<128x10240xi32>
    %reduce_min3A_36 = arith.constant dense<2147483647> : vector<128xi32>
    %reduce_min3A_37 = vector.multi_reduction <minsi>, %select_n3A_32, %reduce_min3A_36 [1] : vector<128x10240xi32> to vector<128xi32>
    %broadcast_in_dim3A_38 = vector.shape_cast %reduce_min3A_37 : vector<128xi32> to vector<128x1xi32>
    %and3A_39 = arith.constant 32767 : i32
    %and3A_40 = vector.broadcast %and3A_39 : i32 to vector<128x1xi32>
    %and3A_41 = arith.andi %broadcast_in_dim3A_38, %and3A_40 : vector<128x1xi32>
    %swap3A_42 = arith.constant 0 : index
    %swap3A_43 = arith.constant 2 : index
    %swap3A_44 = vector.load %arg4[%swap3A_42, %swap3A_43] : memref<128x16xi32, #tpu.memory_space<vmem>>, vector<128x1xi32>
    tpu.vector_store %arg4[%swap3A_42, %swap3A_43], %and3A_41 {strides = array<i32>} : memref<128x16xi32, #tpu.memory_space<vmem>>, vector<128x1xi32>,
    %eq3A_45 = vector.broadcast %broadcast_in_dim3A_38 : vector<128x1xi32> to vector<128x10240xi32>
    %eq3A_46 = arith.cmpi eq, %select_n3A_32, %eq3A_45 : vector<128x10240xi32>
    %select_n3A_47 = arith.select %eq3A_46, %select_n3A_35, %select_n3A_32 : vector<128x10240xi1>, vector<128x10240xi32>
    %jit3A_48 = arith.constant 2147483647 : i32
    %broadcast_in_dim3A_49 = vector.broadcast %jit3A_48 : i32 to vector<128x10240xi32>
    %select_n3A_50 = arith.select %eq3A_46, %broadcast_in_dim3A_49, %select_n3A_35 : vector<128x10240xi1>, vector<128x10240xi32>
    %reduce_min3A_51 = arith.constant dense<2147483647> : vector<128xi32>
    %reduce_min3A_52 = vector.multi_reduction <minsi>, %select_n3A_47, %reduce_min3A_51 [1] : vector<128x10240xi32> to vector<128xi32>
    %broadcast_in_dim3A_53 = vector.shape_cast %reduce_min3A_52 : vector<128xi32> to vector<128x1xi32>
    %and3A_54 = arith.constant 32767 : i32
    %and3A_55 = vector.broadcast %and3A_54 : i32 to vector<128x1xi32>
    %and3A_56 = arith.andi %broadcast_in_dim3A_53, %and3A_55 : vector<128x1xi32>
    %swap3A_57 = arith.constant 0 : index
    %swap3A_58 = arith.constant 3 : index
    %swap3A_59 = vector.load %arg4[%swap3A_57, %swap3A_58] : memref<128x16xi32, #tpu.memory_space<vmem>>, vector<128x1xi32>
    tpu.vector_store %arg4[%swap3A_57, %swap3A_58], %and3A_56 {strides = array<i32>} : memref<128x16xi32, #tpu.memory_space<vmem>>, vector<128x1xi32>,
    %eq3A_60 = vector.broadcast %broadcast_in_dim3A_53 : vector<128x1xi32> to vector<128x10240xi32>
    %eq3A_61 = arith.cmpi eq, %select_n3A_47, %eq3A_60 : vector<128x10240xi32>
    %select_n3A_62 = arith.select %eq3A_61, %select_n3A_50, %select_n3A_47 : vector<128x10240xi1>, vector<128x10240xi32>
    %jit3A_63 = arith.constant 2147483647 : i32
    %broadcast_in_dim3A_64 = vector.broadcast %jit3A_63 : i32 to vector<128x10240xi32>
    %select_n3A_65 = arith.select %eq3A_61, %broadcast_in_dim3A_64, %select_n3A_50 : vector<128x10240xi1>, vector<128x10240xi32>
    %reduce_min3A_66 = arith.constant dense<2147483647> : vector<128xi32>
    %reduce_min3A_67 = vector.multi_reduction <minsi>, %select_n3A_62, %reduce_min3A_66 [1] : vector<128x10240xi32> to vector<128xi32>
    %broadcast_in_dim3A_68 = vector.shape_cast %reduce_min3A_67 : vector<128xi32> to vector<128x1xi32>
    %and3A_69 = arith.constant 32767 : i32
    %and3A_70 = vector.broadcast %and3A_69 : i32 to vector<128x1xi32>
    %and3A_71 = arith.andi %broadcast_in_dim3A_68, %and3A_70 : vector<128x1xi32>
    %swap3A_72 = arith.constant 0 : index
    %swap3A_73 = arith.constant 4 : index
    %swap3A_74 = vector.load %arg4[%swap3A_72, %swap3A_73] : memref<128x16xi32, #tpu.memory_space<vmem>>, vector<128x1xi32>
    tpu.vector_store %arg4[%swap3A_72, %swap3A_73], %and3A_71 {strides = array<i32>} : memref<128x16xi32, #tpu.memory_space<vmem>>, vector<128x1xi32>,
    %eq3A_75 = vector.broadcast %broadcast_in_dim3A_68 : vector<128x1xi32> to vector<128x10240xi32>
    %eq3A_76 = arith.cmpi eq, %select_n3A_62, %eq3A_75 : vector<128x10240xi32>
    %select_n3A_77 = arith.select %eq3A_76, %select_n3A_65, %select_n3A_62 : vector<128x10240xi1>, vector<128x10240xi32>
    %jit3A_78 = arith.constant 2147483647 : i32
    %broadcast_in_dim3A_79 = vector.broadcast %jit3A_78 : i32 to vector<128x10240xi32>
    %select_n3A_80 = arith.select %eq3A_76, %broadcast_in_dim3A_79, %select_n3A_65 : vector<128x10240xi1>, vector<128x10240xi32>
    %reduce_min3A_81 = arith.constant dense<2147483647> : vector<128xi32>
    %reduce_min3A_82 = vector.multi_reduction <minsi>, %select_n3A_77, %reduce_min3A_81 [1] : vector<128x10240xi32> to vector<128xi32>
    %broadcast_in_dim3A_83 = vector.shape_cast %reduce_min3A_82 : vector<128xi32> to vector<128x1xi32>
    %and3A_84 = arith.constant 32767 : i32
    %and3A_85 = vector.broadcast %and3A_84 : i32 to vector<128x1xi32>
    %and3A_86 = arith.andi %broadcast_in_dim3A_83, %and3A_85 : vector<128x1xi32>
    %swap3A_87 = arith.constant 0 : index
    %swap3A_88 = arith.constant 5 : index
    %swap3A_89 = vector.load %arg4[%swap3A_87, %swap3A_88] : memref<128x16xi32, #tpu.memory_space<vmem>>, vector<128x1xi32>
    tpu.vector_store %arg4[%swap3A_87, %swap3A_88], %and3A_86 {strides = array<i32>} : memref<128x16xi32, #tpu.memory_space<vmem>>, vector<128x1xi32>,
    %eq3A_90 = vector.broadcast %broadcast_in_dim3A_83 : vector<128x1xi32> to vector<128x10240xi32>
    %eq3A_91 = arith.cmpi eq, %select_n3A_77, %eq3A_90 : vector<128x10240xi32>
    %select_n3A_92 = arith.select %eq3A_91, %select_n3A_80, %select_n3A_77 : vector<128x10240xi1>, vector<128x10240xi32>
    %jit3A_93 = arith.constant 2147483647 : i32
    %broadcast_in_dim3A_94 = vector.broadcast %jit3A_93 : i32 to vector<128x10240xi32>
    %select_n3A_95 = arith.select %eq3A_91, %broadcast_in_dim3A_94, %select_n3A_80 : vector<128x10240xi1>, vector<128x10240xi32>
    %reduce_min3A_96 = arith.constant dense<2147483647> : vector<128xi32>
    %reduce_min3A_97 = vector.multi_reduction <minsi>, %select_n3A_92, %reduce_min3A_96 [1] : vector<128x10240xi32> to vector<128xi32>
    %broadcast_in_dim3A_98 = vector.shape_cast %reduce_min3A_97 : vector<128xi32> to vector<128x1xi32>
    %and3A_99 = arith.constant 32767 : i32
    %and3A_100 = vector.broadcast %and3A_99 : i32 to vector<128x1xi32>
    %and3A_101 = arith.andi %broadcast_in_dim3A_98, %and3A_100 : vector<128x1xi32>
    %swap3A_102 = arith.constant 0 : index
    %swap3A_103 = arith.constant 6 : index
    %swap3A_104 = vector.load %arg4[%swap3A_102, %swap3A_103] : memref<128x16xi32, #tpu.memory_space<vmem>>, vector<128x1xi32>
    tpu.vector_store %arg4[%swap3A_102, %swap3A_103], %and3A_101 {strides = array<i32>} : memref<128x16xi32, #tpu.memory_space<vmem>>, vector<128x1xi32>,
    %eq3A_105 = vector.broadcast %broadcast_in_dim3A_98 : vector<128x1xi32> to vector<128x10240xi32>
    %eq3A_106 = arith.cmpi eq, %select_n3A_92, %eq3A_105 : vector<128x10240xi32>
    %select_n3A_107 = arith.select %eq3A_106, %select_n3A_95, %select_n3A_92 : vector<128x10240xi1>, vector<128x10240xi32>
    %jit3A_108 = arith.constant 2147483647 : i32
    %broadcast_in_dim3A_109 = vector.broadcast %jit3A_108 : i32 to vector<128x10240xi32>
    %select_n3A_110 = arith.select %eq3A_106, %broadcast_in_dim3A_109, %select_n3A_95 : vector<128x10240xi1>, vector<128x10240xi32>
    %reduce_min3A_111 = arith.constant dense<2147483647> : vector<128xi32>
    %reduce_min3A_112 = vector.multi_reduction <minsi>, %select_n3A_107, %reduce_min3A_111 [1] : vector<128x10240xi32> to vector<128xi32>
    %broadcast_in_dim3A_113 = vector.shape_cast %reduce_min3A_112 : vector<128xi32> to vector<128x1xi32>
    %and3A_114 = arith.constant 32767 : i32
    %and3A_115 = vector.broadcast %and3A_114 : i32 to vector<128x1xi32>
    %and3A_116 = arith.andi %broadcast_in_dim3A_113, %and3A_115 : vector<128x1xi32>
    %swap3A_117 = arith.constant 0 : index
    %swap3A_118 = arith.constant 7 : index
    %swap3A_119 = vector.load %arg4[%swap3A_117, %swap3A_118] : memref<128x16xi32, #tpu.memory_space<vmem>>, vector<128x1xi32>
    tpu.vector_store %arg4[%swap3A_117, %swap3A_118], %and3A_116 {strides = array<i32>} : memref<128x16xi32, #tpu.memory_space<vmem>>, vector<128x1xi32>,
    %eq3A_120 = vector.broadcast %broadcast_in_dim3A_113 : vector<128x1xi32> to vector<128x10240xi32>
    %eq3A_121 = arith.cmpi eq, %select_n3A_107, %eq3A_120 : vector<128x10240xi32>
    %select_n3A_122 = arith.select %eq3A_121, %select_n3A_110, %select_n3A_107 : vector<128x10240xi1>, vector<128x10240xi32>
    %jit3A_123 = arith.constant 2147483647 : i32
    %broadcast_in_dim3A_124 = vector.broadcast %jit3A_123 : i32 to vector<128x10240xi32>
    %select_n3A_125 = arith.select %eq3A_121, %broadcast_in_dim3A_124, %select_n3A_110 : vector<128x10240xi1>, vector<128x10240xi32>
    %reduce_min3A_126 = arith.constant dense<2147483647> : vector<128xi32>
    %reduce_min3A_127 = vector.multi_reduction <minsi>, %select_n3A_122, %reduce_min3A_126 [1] : vector<128x10240xi32> to vector<128xi32>
    %broadcast_in_dim3A_128 = vector.shape_cast %reduce_min3A_127 : vector<128xi32> to vector<128x1xi32>
    %and3A_129 = arith.constant 32767 : i32
    %and3A_130 = vector.broadcast %and3A_129 : i32 to vector<128x1xi32>
    %and3A_131 = arith.andi %broadcast_in_dim3A_128, %and3A_130 : vector<128x1xi32>
    %swap3A_132 = arith.constant 0 : index
    %swap3A_133 = arith.constant 8 : index
    %swap3A_134 = vector.load %arg4[%swap3A_132, %swap3A_133] : memref<128x16xi32, #tpu.memory_space<vmem>>, vector<128x1xi32>
    tpu.vector_store %arg4[%swap3A_132, %swap3A_133], %and3A_131 {strides = array<i32>} : memref<128x16xi32, #tpu.memory_space<vmem>>, vector<128x1xi32>,
    %eq3A_135 = vector.broadcast %broadcast_in_dim3A_128 : vector<128x1xi32> to vector<128x10240xi32>
    %eq3A_136 = arith.cmpi eq, %select_n3A_122, %eq3A_135 : vector<128x10240xi32>
    %select_n3A_137 = arith.select %eq3A_136, %select_n3A_125, %select_n3A_122 : vector<128x10240xi1>, vector<128x10240xi32>
    %reduce_min3A_138 = arith.constant dense<2147483647> : vector<128xi32>
    %reduce_min3A_139 = vector.multi_reduction <minsi>, %select_n3A_137, %reduce_min3A_138 [1] : vector<128x10240xi32> to vector<128xi32>
    %broadcast_in_dim3A_140 = vector.shape_cast %reduce_min3A_139 : vector<128xi32> to vector<128x1xi32>
    %and3A_141 = arith.constant 32767 : i32
    %and3A_142 = vector.broadcast %and3A_141 : i32 to vector<128x1xi32>
    %and3A_143 = arith.andi %broadcast_in_dim3A_140, %and3A_142 : vector<128x1xi32>
    %swap3A_144 = arith.constant 0 : index
    %swap3A_145 = arith.constant 9 : index
    %swap3A_146 = vector.load %arg4[%swap3A_144, %swap3A_145] : memref<128x16xi32, #tpu.memory_space<vmem>>, vector<128x1xi32>
    tpu.vector_store %arg4[%swap3A_144, %swap3A_145], %and3A_143 {strides = array<i32>} : memref<128x16xi32, #tpu.memory_space<vmem>>, vector<128x1xi32>,
    return
  }
  func.func @transform_0(%arg0: i32) -> (i32, i32) {
    %c0_i32 = arith.constant 0 : i32
    %c0_i32_0 = arith.constant 0 : i32
    return %arg0, %c0_i32 : i32, i32
  }
  func.func @transform_1(%arg0: i32) -> (i32, i32) {
    %c0_i32 = arith.constant 0 : i32
    %c0_i32_0 = arith.constant 0 : i32
    %c0_i32_1 = arith.constant 0 : i32
    return %c0_i32, %c0_i32_0 : i32, i32
  }
  func.func @transform_2(%arg0: i32) -> (i32, i32) {
    %c0_i32 = arith.constant 0 : i32
    %c0_i32_0 = arith.constant 0 : i32
    %c0_i32_1 = arith.constant 0 : i32
    return %c0_i32, %c0_i32_0 : i32, i32
  }
  func.func @transform_3(%arg0: i32) -> (i32, i32) {
    %c0_i32 = arith.constant 0 : i32
    %c0_i32_0 = arith.constant 0 : i32
    return %arg0, %c0_i32 : i32, i32
  }
}

module attributes {stable_mosaic.version = 14 : i64} {
  func.func @_loss_body(%arg0: i32, %arg1: memref<80x512xf32, #tpu.memory_space<vmem>>, %arg2: memref<320x512xf32, #tpu.memory_space<vmem>>, %arg3: memref<1x1xf32, #tpu.memory_space<vmem>>) attributes {dimension_semantics = [#tpu.dimension_semantics<arbitrary>], iteration_bounds = array<i64: 10>, scalar_prefetch = 0 : i64, scratch_operands = 0 : i64, tpu.core_type = #tpu.core_type<tc>, window_params = [{transform_indices = @transform_0, window_bounds = array<i64: 80, 512>}, {transform_indices = @transform_1, window_bounds = array<i64: 320, 512>}, {pipeline_mode = #tpu.pipeline_mode<synchronous>, transform_indices = @transform_2, window_bounds = array<i64: 1, 1>}]} {
    %eq3A = arith.constant 0 : i32
    %eq3A_0 = arith.cmpi eq, %arg0, %eq3A : i32
    %convert_element_type3A = arith.extui %eq3A_0 : i1 to i32
    %cond3A = arith.constant 0 : i32
    %cond3A_1 = arith.cmpi ne, %convert_element_type3A, %cond3A : i32
    scf.if %cond3A_1 {
      %broadcast_in_dim3A_842 = arith.constant 0.000000e+00 : f32
      %broadcast_in_dim3A_843 = vector.broadcast %broadcast_in_dim3A_842 : f32 to vector<1x1xf32>
      %swap3A_844 = arith.constant 0 : index
      %swap3A_845 = arith.constant 0 : index
      %swap3A_846 = vector.load %arg3[%swap3A_844, %swap3A_845] : memref<1x1xf32, #tpu.memory_space<vmem>>, vector<1x1xf32>
      tpu.vector_store %arg3[%swap3A_844, %swap3A_845], %broadcast_in_dim3A_843 {strides = array<i32>} : memref<1x1xf32, #tpu.memory_space<vmem>>, vector<1x1xf32>,
    } else {
    }
    %get3A = arith.constant 0 : index
    %get3A_2 = arith.constant 0 : index
    %get3A_3 = vector.load %arg1[%get3A, %get3A_2] : memref<80x512xf32, #tpu.memory_space<vmem>>, vector<80x512xf32>
    %slice3A = vector.extract_strided_slice %get3A_3 {offsets = [0, 0], sizes = [8, 512], strides = [1, 1]} : vector<80x512xf32> to vector<8x512xf32>
    %slice3A_4 = vector.extract_strided_slice %get3A_3 {offsets = [8, 0], sizes = [8, 512], strides = [1, 1]} : vector<80x512xf32> to vector<8x512xf32>
    %slice3A_5 = vector.extract_strided_slice %get3A_3 {offsets = [16, 0], sizes = [8, 512], strides = [1, 1]} : vector<80x512xf32> to vector<8x512xf32>
    %slice3A_6 = vector.extract_strided_slice %get3A_3 {offsets = [24, 0], sizes = [8, 512], strides = [1, 1]} : vector<80x512xf32> to vector<8x512xf32>
    %slice3A_7 = vector.extract_strided_slice %get3A_3 {offsets = [32, 0], sizes = [8, 512], strides = [1, 1]} : vector<80x512xf32> to vector<8x512xf32>
    %slice3A_8 = vector.extract_strided_slice %get3A_3 {offsets = [40, 0], sizes = [8, 512], strides = [1, 1]} : vector<80x512xf32> to vector<8x512xf32>
    %slice3A_9 = vector.extract_strided_slice %get3A_3 {offsets = [48, 0], sizes = [8, 512], strides = [1, 1]} : vector<80x512xf32> to vector<8x512xf32>
    %slice3A_10 = vector.extract_strided_slice %get3A_3 {offsets = [56, 0], sizes = [8, 512], strides = [1, 1]} : vector<80x512xf32> to vector<8x512xf32>
    %slice3A_11 = vector.extract_strided_slice %get3A_3 {offsets = [64, 0], sizes = [8, 512], strides = [1, 1]} : vector<80x512xf32> to vector<8x512xf32>
    %slice3A_12 = vector.extract_strided_slice %get3A_3 {offsets = [72, 0], sizes = [1, 512], strides = [1, 1]} : vector<80x512xf32> to vector<1x512xf32>
    %slice3A_13 = vector.extract_strided_slice %get3A_3 {offsets = [73, 0], sizes = [1, 512], strides = [1, 1]} : vector<80x512xf32> to vector<1x512xf32>
    %slice3A_14 = vector.extract_strided_slice %get3A_3 {offsets = [74, 0], sizes = [1, 512], strides = [1, 1]} : vector<80x512xf32> to vector<1x512xf32>
    %iota3A = tpu.iota {dimensions = array<i32: 1>} : vector<1x512xi32>
    %mul3A = arith.constant 512 : i32
    %mul3A_15 = arith.muli %arg0, %mul3A : i32
    %add3A = vector.broadcast %mul3A_15 : i32 to vector<1x512xi32>
    %add3A_16 = arith.addi %iota3A, %add3A : vector<1x512xi32>
    %lt3A = arith.constant 5000 : i32
    %lt3A_17 = vector.broadcast %lt3A : i32 to vector<1x512xi32>
    %lt3A_18 = arith.cmpi slt, %add3A_16, %lt3A_17 : vector<1x512xi32>
    %convert_element_type3A_19 = arith.extui %lt3A_18 : vector<1x512xi1> to vector<1x512xi32>
    %convert_element_type3A_20 = arith.sitofp %convert_element_type3A_19 : vector<1x512xi32> to vector<1x512xf32>
    %mul3A_21 = arith.constant 2.000000e+00 : f32
    %mul3A_22 = vector.broadcast %mul3A_21 : f32 to vector<8x512xf32>
    %mul3A_23 = arith.mulf %mul3A_22, %slice3A_6 : vector<8x512xf32>
    %exp3A = math.exp %mul3A_23 : vector<8x512xf32>
    %add3A_24 = arith.constant 9.99999996E-13 : f32
    %add3A_25 = vector.broadcast %add3A_24 : f32 to vector<8x512xf32>
    %add3A_26 = arith.addf %exp3A, %add3A_25 : vector<8x512xf32>
    %div3A = arith.constant 1.000000e+00 : f32
    %div3A_27 = vector.broadcast %div3A : f32 to vector<8x512xf32>
    %div3A_28 = arith.divf %div3A_27, %add3A_26 : vector<8x512xf32>
    %mul3A_29 = arith.constant 2.000000e+00 : f32
    %mul3A_30 = vector.broadcast %mul3A_29 : f32 to vector<8x512xf32>
    %mul3A_31 = arith.mulf %mul3A_30, %slice3A_7 : vector<8x512xf32>
    %exp3A_32 = math.exp %mul3A_31 : vector<8x512xf32>
    %add3A_33 = arith.constant 9.99999996E-13 : f32
    %add3A_34 = vector.broadcast %add3A_33 : f32 to vector<8x512xf32>
    %add3A_35 = arith.addf %exp3A_32, %add3A_34 : vector<8x512xf32>
    %div3A_36 = arith.constant 1.000000e+00 : f32
    %div3A_37 = vector.broadcast %div3A_36 : f32 to vector<8x512xf32>
    %div3A_38 = arith.divf %div3A_37, %add3A_35 : vector<8x512xf32>
    %mul3A_39 = arith.constant 2.000000e+00 : f32
    %mul3A_40 = vector.broadcast %mul3A_39 : f32 to vector<8x512xf32>
    %mul3A_41 = arith.mulf %mul3A_40, %slice3A_8 : vector<8x512xf32>
    %exp3A_42 = math.exp %mul3A_41 : vector<8x512xf32>
    %add3A_43 = arith.constant 9.99999996E-13 : f32
    %add3A_44 = vector.broadcast %add3A_43 : f32 to vector<8x512xf32>
    %add3A_45 = arith.addf %exp3A_42, %add3A_44 : vector<8x512xf32>
    %div3A_46 = arith.constant 1.000000e+00 : f32
    %div3A_47 = vector.broadcast %div3A_46 : f32 to vector<8x512xf32>
    %div3A_48 = arith.divf %div3A_47, %add3A_45 : vector<8x512xf32>
    %reduce_max3A = arith.constant dense<0xFF800000> : vector<512xf32>
    %reduce_max3A_49 = vector.multi_reduction <maximumf>, %slice3A_9, %reduce_max3A [0] : vector<8x512xf32> to vector<512xf32>
    %broadcast_in_dim3A = vector.shape_cast %reduce_max3A_49 : vector<512xf32> to vector<1x512xf32>
    %sub3A = vector.broadcast %broadcast_in_dim3A : vector<1x512xf32> to vector<8x512xf32>
    %sub3A_50 = arith.subf %slice3A_9, %sub3A : vector<8x512xf32>
    %sub3A_51 = vector.broadcast %broadcast_in_dim3A : vector<1x512xf32> to vector<8x512xf32>
    %sub3A_52 = arith.subf %slice3A_9, %sub3A_51 : vector<8x512xf32>
    %exp3A_53 = math.exp %sub3A_52 : vector<8x512xf32>
    %reduce_sum3A = arith.constant dense<0.000000e+00> : vector<512xf32>
    %reduce_sum3A_54 = vector.multi_reduction <add>, %exp3A_53, %reduce_sum3A [0] : vector<8x512xf32> to vector<512xf32>
    %broadcast_in_dim3A_55 = vector.shape_cast %reduce_sum3A_54 : vector<512xf32> to vector<1x512xf32>
    %log3A = math.log %broadcast_in_dim3A_55 : vector<1x512xf32>
    %sub3A_56 = vector.broadcast %log3A : vector<1x512xf32> to vector<8x512xf32>
    %sub3A_57 = arith.subf %sub3A_50, %sub3A_56 : vector<8x512xf32>
    %get3A_58 = arith.constant 0 : index
    %get3A_59 = arith.constant 0 : index
    %get3A_60 = vector.load %arg2[%get3A_58, %get3A_59] : memref<320x512xf32, #tpu.memory_space<vmem>>, vector<320x512xf32>
    %broadcast_in_dim3A_61 = arith.constant 0.000000e+00 : f32
    %broadcast_in_dim3A_62 = vector.broadcast %broadcast_in_dim3A_61 : f32 to vector<1x512xf32>
    %broadcast_in_dim3A_63 = arith.constant 0.000000e+00 : f32
    %broadcast_in_dim3A_64 = vector.broadcast %broadcast_in_dim3A_63 : f32 to vector<1x512xf32>
    %slice3A_65 = vector.extract_strided_slice %get3A_60 {offsets = [3, 0], sizes = [1, 512], strides = [1, 1]} : vector<320x512xf32> to vector<1x512xf32>
    %slice3A_66 = vector.extract_strided_slice %get3A_60 {offsets = [7, 0], sizes = [1, 512], strides = [1, 1]} : vector<320x512xf32> to vector<1x512xf32>
    %add3A_67 = arith.addf %slice3A_65, %slice3A_66 : vector<1x512xf32>
    %slice3A_68 = vector.extract_strided_slice %get3A_60 {offsets = [11, 0], sizes = [1, 512], strides = [1, 1]} : vector<320x512xf32> to vector<1x512xf32>
    %add3A_69 = arith.addf %add3A_67, %slice3A_68 : vector<1x512xf32>
    %slice3A_70 = vector.extract_strided_slice %get3A_60 {offsets = [15, 0], sizes = [1, 512], strides = [1, 1]} : vector<320x512xf32> to vector<1x512xf32>
    %add3A_71 = arith.addf %add3A_69, %slice3A_70 : vector<1x512xf32>
    %mul3A_72 = arith.constant 2.500000e-01 : f32
    %mul3A_73 = vector.broadcast %mul3A_72 : f32 to vector<1x512xf32>
    %mul3A_74 = arith.mulf %add3A_71, %mul3A_73 : vector<1x512xf32>
    %slice3A_75 = vector.extract_strided_slice %get3A_60 {offsets = [18, 0], sizes = [1, 512], strides = [1, 1]} : vector<320x512xf32> to vector<1x512xf32>
    %sub3A_76 = arith.subf %slice3A_75, %slice3A_14 : vector<1x512xf32>
    %slice3A_77 = vector.extract_strided_slice %get3A_60 {offsets = [17, 0], sizes = [1, 512], strides = [1, 1]} : vector<320x512xf32> to vector<1x512xf32>
    %sub3A_78 = arith.subf %slice3A_77, %slice3A_13 : vector<1x512xf32>
    %slice3A_79 = vector.extract_strided_slice %get3A_60 {offsets = [16, 0], sizes = [1, 512], strides = [1, 1]} : vector<320x512xf32> to vector<1x512xf32>
    %sub3A_80 = arith.subf %slice3A_79, %slice3A_12 : vector<1x512xf32>
    %sub3A_81 = vector.broadcast %sub3A_76 : vector<1x512xf32> to vector<8x512xf32>
    %sub3A_82 = arith.subf %sub3A_81, %slice3A : vector<8x512xf32>
    %integer_pow3A = arith.mulf %sub3A_82, %sub3A_82 : vector<8x512xf32>
    %mul3A_83 = arith.mulf %integer_pow3A, %div3A_28 : vector<8x512xf32>
    %mul3A_84 = arith.constant 2.000000e+00 : f32
    %mul3A_85 = vector.broadcast %mul3A_84 : f32 to vector<8x512xf32>
    %mul3A_86 = arith.mulf %mul3A_85, %slice3A_6 : vector<8x512xf32>
    %add3A_87 = arith.addf %mul3A_83, %mul3A_86 : vector<8x512xf32>
    %add3A_88 = arith.constant 0.000000e+00 : f32
    %add3A_89 = vector.broadcast %add3A_88 : f32 to vector<8x512xf32>
    %add3A_90 = arith.addf %add3A_89, %add3A_87 : vector<8x512xf32>
    %sub3A_91 = vector.broadcast %sub3A_78 : vector<1x512xf32> to vector<8x512xf32>
    %sub3A_92 = arith.subf %sub3A_91, %slice3A_4 : vector<8x512xf32>
    %integer_pow3A_93 = arith.mulf %sub3A_92, %sub3A_92 : vector<8x512xf32>
    %mul3A_94 = arith.mulf %integer_pow3A_93, %div3A_38 : vector<8x512xf32>
    %mul3A_95 = arith.constant 2.000000e+00 : f32
    %mul3A_96 = vector.broadcast %mul3A_95 : f32 to vector<8x512xf32>
    %mul3A_97 = arith.mulf %mul3A_96, %slice3A_7 : vector<8x512xf32>
    %add3A_98 = arith.addf %mul3A_94, %mul3A_97 : vector<8x512xf32>
    %add3A_99 = arith.addf %add3A_90, %add3A_98 : vector<8x512xf32>
    %sub3A_100 = vector.broadcast %sub3A_80 : vector<1x512xf32> to vector<8x512xf32>
    %sub3A_101 = arith.subf %sub3A_100, %slice3A_5 : vector<8x512xf32>
    %integer_pow3A_102 = arith.mulf %sub3A_101, %sub3A_101 : vector<8x512xf32>
    %mul3A_103 = arith.mulf %integer_pow3A_102, %div3A_48 : vector<8x512xf32>
    %mul3A_104 = arith.constant 2.000000e+00 : f32
    %mul3A_105 = vector.broadcast %mul3A_104 : f32 to vector<8x512xf32>
    %mul3A_106 = arith.mulf %mul3A_105, %slice3A_8 : vector<8x512xf32>
    %add3A_107 = arith.addf %mul3A_103, %mul3A_106 : vector<8x512xf32>
    %add3A_108 = arith.addf %add3A_99, %add3A_107 : vector<8x512xf32>
    %add3A_109 = arith.constant 5.51363134 : f32
    %add3A_110 = vector.broadcast %add3A_109 : f32 to vector<8x512xf32>
    %add3A_111 = arith.addf %add3A_108, %add3A_110 : vector<8x512xf32>
    %mul3A_112 = arith.constant -5.000000e-01 : f32
    %mul3A_113 = vector.broadcast %mul3A_112 : f32 to vector<8x512xf32>
    %mul3A_114 = arith.mulf %mul3A_113, %add3A_111 : vector<8x512xf32>
    %add3A_115 = arith.addf %mul3A_114, %sub3A_57 : vector<8x512xf32>
    %reduce_max3A_116 = arith.constant dense<0xFF800000> : vector<512xf32>
    %reduce_max3A_117 = vector.multi_reduction <maximumf>, %add3A_115, %reduce_max3A_116 [0] : vector<8x512xf32> to vector<512xf32>
    %broadcast_in_dim3A_118 = vector.shape_cast %reduce_max3A_117 : vector<512xf32> to vector<1x512xf32>
    %sub3A_119 = vector.broadcast %broadcast_in_dim3A_118 : vector<1x512xf32> to vector<8x512xf32>
    %sub3A_120 = arith.subf %add3A_115, %sub3A_119 : vector<8x512xf32>
    %exp3A_121 = math.exp %sub3A_120 : vector<8x512xf32>
    %reduce_sum3A_122 = arith.constant dense<0.000000e+00> : vector<512xf32>
    %reduce_sum3A_123 = vector.multi_reduction <add>, %exp3A_121, %reduce_sum3A_122 [0] : vector<8x512xf32> to vector<512xf32>
    %broadcast_in_dim3A_124 = vector.shape_cast %reduce_sum3A_123 : vector<512xf32> to vector<1x512xf32>
    %log3A_125 = math.log %broadcast_in_dim3A_124 : vector<1x512xf32>
    %add3A_126 = arith.addf %broadcast_in_dim3A_118, %log3A_125 : vector<1x512xf32>
    %add3A_127 = arith.addf %broadcast_in_dim3A_62, %add3A_126 : vector<1x512xf32>
    %sub3A_128 = vector.broadcast %mul3A_74 : vector<1x512xf32> to vector<8x512xf32>
    %sub3A_129 = arith.subf %slice3A_11, %sub3A_128 : vector<8x512xf32>
    %abs3A = math.absf %sub3A_129 : vector<8x512xf32>
    %mul3A_130 = arith.mulf %exp3A_121, %abs3A : vector<8x512xf32>
    %reduce_sum3A_131 = arith.constant dense<0.000000e+00> : vector<512xf32>
    %reduce_sum3A_132 = vector.multi_reduction <add>, %mul3A_130, %reduce_sum3A_131 [0] : vector<8x512xf32> to vector<512xf32>
    %broadcast_in_dim3A_133 = vector.shape_cast %reduce_sum3A_132 : vector<512xf32> to vector<1x512xf32>
    %div3A_134 = arith.divf %broadcast_in_dim3A_133, %broadcast_in_dim3A_124 : vector<1x512xf32>
    %add3A_135 = arith.addf %broadcast_in_dim3A_64, %div3A_134 : vector<1x512xf32>
    %slice3A_136 = vector.extract_strided_slice %get3A_60 {offsets = [35, 0], sizes = [1, 512], strides = [1, 1]} : vector<320x512xf32> to vector<1x512xf32>
    %slice3A_137 = vector.extract_strided_slice %get3A_60 {offsets = [39, 0], sizes = [1, 512], strides = [1, 1]} : vector<320x512xf32> to vector<1x512xf32>
    %add3A_138 = arith.addf %slice3A_136, %slice3A_137 : vector<1x512xf32>
    %slice3A_139 = vector.extract_strided_slice %get3A_60 {offsets = [43, 0], sizes = [1, 512], strides = [1, 1]} : vector<320x512xf32> to vector<1x512xf32>
    %add3A_140 = arith.addf %add3A_138, %slice3A_139 : vector<1x512xf32>
    %slice3A_141 = vector.extract_strided_slice %get3A_60 {offsets = [47, 0], sizes = [1, 512], strides = [1, 1]} : vector<320x512xf32> to vector<1x512xf32>
    %add3A_142 = arith.addf %add3A_140, %slice3A_141 : vector<1x512xf32>
    %mul3A_143 = arith.constant 2.500000e-01 : f32
    %mul3A_144 = vector.broadcast %mul3A_143 : f32 to vector<1x512xf32>
    %mul3A_145 = arith.mulf %add3A_142, %mul3A_144 : vector<1x512xf32>
    %slice3A_146 = vector.extract_strided_slice %get3A_60 {offsets = [50, 0], sizes = [1, 512], strides = [1, 1]} : vector<320x512xf32> to vector<1x512xf32>
    %sub3A_147 = arith.subf %slice3A_146, %slice3A_14 : vector<1x512xf32>
    %slice3A_148 = vector.extract_strided_slice %get3A_60 {offsets = [49, 0], sizes = [1, 512], strides = [1, 1]} : vector<320x512xf32> to vector<1x512xf32>
    %sub3A_149 = arith.subf %slice3A_148, %slice3A_13 : vector<1x512xf32>
    %slice3A_150 = vector.extract_strided_slice %get3A_60 {offsets = [48, 0], sizes = [1, 512], strides = [1, 1]} : vector<320x512xf32> to vector<1x512xf32>
    %sub3A_151 = arith.subf %slice3A_150, %slice3A_12 : vector<1x512xf32>
    %sub3A_152 = vector.broadcast %sub3A_147 : vector<1x512xf32> to vector<8x512xf32>
    %sub3A_153 = arith.subf %sub3A_152, %slice3A : vector<8x512xf32>
    %integer_pow3A_154 = arith.mulf %sub3A_153, %sub3A_153 : vector<8x512xf32>
    %mul3A_155 = arith.mulf %integer_pow3A_154, %div3A_28 : vector<8x512xf32>
    %mul3A_156 = arith.constant 2.000000e+00 : f32
    %mul3A_157 = vector.broadcast %mul3A_156 : f32 to vector<8x512xf32>
    %mul3A_158 = arith.mulf %mul3A_157, %slice3A_6 : vector<8x512xf32>
    %add3A_159 = arith.addf %mul3A_155, %mul3A_158 : vector<8x512xf32>
    %add3A_160 = arith.constant 0.000000e+00 : f32
    %add3A_161 = vector.broadcast %add3A_160 : f32 to vector<8x512xf32>
    %add3A_162 = arith.addf %add3A_161, %add3A_159 : vector<8x512xf32>
    %sub3A_163 = vector.broadcast %sub3A_149 : vector<1x512xf32> to vector<8x512xf32>
    %sub3A_164 = arith.subf %sub3A_163, %slice3A_4 : vector<8x512xf32>
    %integer_pow3A_165 = arith.mulf %sub3A_164, %sub3A_164 : vector<8x512xf32>
    %mul3A_166 = arith.mulf %integer_pow3A_165, %div3A_38 : vector<8x512xf32>
    %mul3A_167 = arith.constant 2.000000e+00 : f32
    %mul3A_168 = vector.broadcast %mul3A_167 : f32 to vector<8x512xf32>
    %mul3A_169 = arith.mulf %mul3A_168, %slice3A_7 : vector<8x512xf32>
    %add3A_170 = arith.addf %mul3A_166, %mul3A_169 : vector<8x512xf32>
    %add3A_171 = arith.addf %add3A_162, %add3A_170 : vector<8x512xf32>
    %sub3A_172 = vector.broadcast %sub3A_151 : vector<1x512xf32> to vector<8x512xf32>
    %sub3A_173 = arith.subf %sub3A_172, %slice3A_5 : vector<8x512xf32>
    %integer_pow3A_174 = arith.mulf %sub3A_173, %sub3A_173 : vector<8x512xf32>
    %mul3A_175 = arith.mulf %integer_pow3A_174, %div3A_48 : vector<8x512xf32>
    %mul3A_176 = arith.constant 2.000000e+00 : f32
    %mul3A_177 = vector.broadcast %mul3A_176 : f32 to vector<8x512xf32>
    %mul3A_178 = arith.mulf %mul3A_177, %slice3A_8 : vector<8x512xf32>
    %add3A_179 = arith.addf %mul3A_175, %mul3A_178 : vector<8x512xf32>
    %add3A_180 = arith.addf %add3A_171, %add3A_179 : vector<8x512xf32>
    %add3A_181 = arith.constant 5.51363134 : f32
    %add3A_182 = vector.broadcast %add3A_181 : f32 to vector<8x512xf32>
    %add3A_183 = arith.addf %add3A_180, %add3A_182 : vector<8x512xf32>
    %mul3A_184 = arith.constant -5.000000e-01 : f32
    %mul3A_185 = vector.broadcast %mul3A_184 : f32 to vector<8x512xf32>
    %mul3A_186 = arith.mulf %mul3A_185, %add3A_183 : vector<8x512xf32>
    %add3A_187 = arith.addf %mul3A_186, %sub3A_57 : vector<8x512xf32>
    %reduce_max3A_188 = arith.constant dense<0xFF800000> : vector<512xf32>
    %reduce_max3A_189 = vector.multi_reduction <maximumf>, %add3A_187, %reduce_max3A_188 [0] : vector<8x512xf32> to vector<512xf32>
    %broadcast_in_dim3A_190 = vector.shape_cast %reduce_max3A_189 : vector<512xf32> to vector<1x512xf32>
    %sub3A_191 = vector.broadcast %broadcast_in_dim3A_190 : vector<1x512xf32> to vector<8x512xf32>
    %sub3A_192 = arith.subf %add3A_187, %sub3A_191 : vector<8x512xf32>
    %exp3A_193 = math.exp %sub3A_192 : vector<8x512xf32>
    %reduce_sum3A_194 = arith.constant dense<0.000000e+00> : vector<512xf32>
    %reduce_sum3A_195 = vector.multi_reduction <add>, %exp3A_193, %reduce_sum3A_194 [0] : vector<8x512xf32> to vector<512xf32>
    %broadcast_in_dim3A_196 = vector.shape_cast %reduce_sum3A_195 : vector<512xf32> to vector<1x512xf32>
    %log3A_197 = math.log %broadcast_in_dim3A_196 : vector<1x512xf32>
    %add3A_198 = arith.addf %broadcast_in_dim3A_190, %log3A_197 : vector<1x512xf32>
    %add3A_199 = arith.addf %add3A_127, %add3A_198 : vector<1x512xf32>
    %sub3A_200 = vector.broadcast %mul3A_145 : vector<1x512xf32> to vector<8x512xf32>
    %sub3A_201 = arith.subf %slice3A_11, %sub3A_200 : vector<8x512xf32>
    %abs3A_202 = math.absf %sub3A_201 : vector<8x512xf32>
    %mul3A_203 = arith.mulf %exp3A_193, %abs3A_202 : vector<8x512xf32>
    %reduce_sum3A_204 = arith.constant dense<0.000000e+00> : vector<512xf32>
    %reduce_sum3A_205 = vector.multi_reduction <add>, %mul3A_203, %reduce_sum3A_204 [0] : vector<8x512xf32> to vector<512xf32>
    %broadcast_in_dim3A_206 = vector.shape_cast %reduce_sum3A_205 : vector<512xf32> to vector<1x512xf32>
    %div3A_207 = arith.divf %broadcast_in_dim3A_206, %broadcast_in_dim3A_196 : vector<1x512xf32>
    %add3A_208 = arith.addf %add3A_135, %div3A_207 : vector<1x512xf32>
    %slice3A_209 = vector.extract_strided_slice %get3A_60 {offsets = [67, 0], sizes = [1, 512], strides = [1, 1]} : vector<320x512xf32> to vector<1x512xf32>
    %slice3A_210 = vector.extract_strided_slice %get3A_60 {offsets = [71, 0], sizes = [1, 512], strides = [1, 1]} : vector<320x512xf32> to vector<1x512xf32>
    %add3A_211 = arith.addf %slice3A_209, %slice3A_210 : vector<1x512xf32>
    %slice3A_212 = vector.extract_strided_slice %get3A_60 {offsets = [75, 0], sizes = [1, 512], strides = [1, 1]} : vector<320x512xf32> to vector<1x512xf32>
    %add3A_213 = arith.addf %add3A_211, %slice3A_212 : vector<1x512xf32>
    %slice3A_214 = vector.extract_strided_slice %get3A_60 {offsets = [79, 0], sizes = [1, 512], strides = [1, 1]} : vector<320x512xf32> to vector<1x512xf32>
    %add3A_215 = arith.addf %add3A_213, %slice3A_214 : vector<1x512xf32>
    %mul3A_216 = arith.constant 2.500000e-01 : f32
    %mul3A_217 = vector.broadcast %mul3A_216 : f32 to vector<1x512xf32>
    %mul3A_218 = arith.mulf %add3A_215, %mul3A_217 : vector<1x512xf32>
    %slice3A_219 = vector.extract_strided_slice %get3A_60 {offsets = [82, 0], sizes = [1, 512], strides = [1, 1]} : vector<320x512xf32> to vector<1x512xf32>
    %sub3A_220 = arith.subf %slice3A_219, %slice3A_14 : vector<1x512xf32>
    %slice3A_221 = vector.extract_strided_slice %get3A_60 {offsets = [81, 0], sizes = [1, 512], strides = [1, 1]} : vector<320x512xf32> to vector<1x512xf32>
    %sub3A_222 = arith.subf %slice3A_221, %slice3A_13 : vector<1x512xf32>
    %slice3A_223 = vector.extract_strided_slice %get3A_60 {offsets = [80, 0], sizes = [1, 512], strides = [1, 1]} : vector<320x512xf32> to vector<1x512xf32>
    %sub3A_224 = arith.subf %slice3A_223, %slice3A_12 : vector<1x512xf32>
    %sub3A_225 = vector.broadcast %sub3A_220 : vector<1x512xf32> to vector<8x512xf32>
    %sub3A_226 = arith.subf %sub3A_225, %slice3A : vector<8x512xf32>
    %integer_pow3A_227 = arith.mulf %sub3A_226, %sub3A_226 : vector<8x512xf32>
    %mul3A_228 = arith.mulf %integer_pow3A_227, %div3A_28 : vector<8x512xf32>
    %mul3A_229 = arith.constant 2.000000e+00 : f32
    %mul3A_230 = vector.broadcast %mul3A_229 : f32 to vector<8x512xf32>
    %mul3A_231 = arith.mulf %mul3A_230, %slice3A_6 : vector<8x512xf32>
    %add3A_232 = arith.addf %mul3A_228, %mul3A_231 : vector<8x512xf32>
    %add3A_233 = arith.constant 0.000000e+00 : f32
    %add3A_234 = vector.broadcast %add3A_233 : f32 to vector<8x512xf32>
    %add3A_235 = arith.addf %add3A_234, %add3A_232 : vector<8x512xf32>
    %sub3A_236 = vector.broadcast %sub3A_222 : vector<1x512xf32> to vector<8x512xf32>
    %sub3A_237 = arith.subf %sub3A_236, %slice3A_4 : vector<8x512xf32>
    %integer_pow3A_238 = arith.mulf %sub3A_237, %sub3A_237 : vector<8x512xf32>
    %mul3A_239 = arith.mulf %integer_pow3A_238, %div3A_38 : vector<8x512xf32>
    %mul3A_240 = arith.constant 2.000000e+00 : f32
    %mul3A_241 = vector.broadcast %mul3A_240 : f32 to vector<8x512xf32>
    %mul3A_242 = arith.mulf %mul3A_241, %slice3A_7 : vector<8x512xf32>
    %add3A_243 = arith.addf %mul3A_239, %mul3A_242 : vector<8x512xf32>
    %add3A_244 = arith.addf %add3A_235, %add3A_243 : vector<8x512xf32>
    %sub3A_245 = vector.broadcast %sub3A_224 : vector<1x512xf32> to vector<8x512xf32>
    %sub3A_246 = arith.subf %sub3A_245, %slice3A_5 : vector<8x512xf32>
    %integer_pow3A_247 = arith.mulf %sub3A_246, %sub3A_246 : vector<8x512xf32>
    %mul3A_248 = arith.mulf %integer_pow3A_247, %div3A_48 : vector<8x512xf32>
    %mul3A_249 = arith.constant 2.000000e+00 : f32
    %mul3A_250 = vector.broadcast %mul3A_249 : f32 to vector<8x512xf32>
    %mul3A_251 = arith.mulf %mul3A_250, %slice3A_8 : vector<8x512xf32>
    %add3A_252 = arith.addf %mul3A_248, %mul3A_251 : vector<8x512xf32>
    %add3A_253 = arith.addf %add3A_244, %add3A_252 : vector<8x512xf32>
    %add3A_254 = arith.constant 5.51363134 : f32
    %add3A_255 = vector.broadcast %add3A_254 : f32 to vector<8x512xf32>
    %add3A_256 = arith.addf %add3A_253, %add3A_255 : vector<8x512xf32>
    %mul3A_257 = arith.constant -5.000000e-01 : f32
    %mul3A_258 = vector.broadcast %mul3A_257 : f32 to vector<8x512xf32>
    %mul3A_259 = arith.mulf %mul3A_258, %add3A_256 : vector<8x512xf32>
    %add3A_260 = arith.addf %mul3A_259, %sub3A_57 : vector<8x512xf32>
    %reduce_max3A_261 = arith.constant dense<0xFF800000> : vector<512xf32>
    %reduce_max3A_262 = vector.multi_reduction <maximumf>, %add3A_260, %reduce_max3A_261 [0] : vector<8x512xf32> to vector<512xf32>
    %broadcast_in_dim3A_263 = vector.shape_cast %reduce_max3A_262 : vector<512xf32> to vector<1x512xf32>
    %sub3A_264 = vector.broadcast %broadcast_in_dim3A_263 : vector<1x512xf32> to vector<8x512xf32>
    %sub3A_265 = arith.subf %add3A_260, %sub3A_264 : vector<8x512xf32>
    %exp3A_266 = math.exp %sub3A_265 : vector<8x512xf32>
    %reduce_sum3A_267 = arith.constant dense<0.000000e+00> : vector<512xf32>
    %reduce_sum3A_268 = vector.multi_reduction <add>, %exp3A_266, %reduce_sum3A_267 [0] : vector<8x512xf32> to vector<512xf32>
    %broadcast_in_dim3A_269 = vector.shape_cast %reduce_sum3A_268 : vector<512xf32> to vector<1x512xf32>
    %log3A_270 = math.log %broadcast_in_dim3A_269 : vector<1x512xf32>
    %add3A_271 = arith.addf %broadcast_in_dim3A_263, %log3A_270 : vector<1x512xf32>
    %add3A_272 = arith.addf %add3A_199, %add3A_271 : vector<1x512xf32>
    %sub3A_273 = vector.broadcast %mul3A_218 : vector<1x512xf32> to vector<8x512xf32>
    %sub3A_274 = arith.subf %slice3A_11, %sub3A_273 : vector<8x512xf32>
    %abs3A_275 = math.absf %sub3A_274 : vector<8x512xf32>
    %mul3A_276 = arith.mulf %exp3A_266, %abs3A_275 : vector<8x512xf32>
    %reduce_sum3A_277 = arith.constant dense<0.000000e+00> : vector<512xf32>
    %reduce_sum3A_278 = vector.multi_reduction <add>, %mul3A_276, %reduce_sum3A_277 [0] : vector<8x512xf32> to vector<512xf32>
    %broadcast_in_dim3A_279 = vector.shape_cast %reduce_sum3A_278 : vector<512xf32> to vector<1x512xf32>
    %div3A_280 = arith.divf %broadcast_in_dim3A_279, %broadcast_in_dim3A_269 : vector<1x512xf32>
    %add3A_281 = arith.addf %add3A_208, %div3A_280 : vector<1x512xf32>
    %slice3A_282 = vector.extract_strided_slice %get3A_60 {offsets = [99, 0], sizes = [1, 512], strides = [1, 1]} : vector<320x512xf32> to vector<1x512xf32>
    %slice3A_283 = vector.extract_strided_slice %get3A_60 {offsets = [103, 0], sizes = [1, 512], strides = [1, 1]} : vector<320x512xf32> to vector<1x512xf32>
    %add3A_284 = arith.addf %slice3A_282, %slice3A_283 : vector<1x512xf32>
    %slice3A_285 = vector.extract_strided_slice %get3A_60 {offsets = [107, 0], sizes = [1, 512], strides = [1, 1]} : vector<320x512xf32> to vector<1x512xf32>
    %add3A_286 = arith.addf %add3A_284, %slice3A_285 : vector<1x512xf32>
    %slice3A_287 = vector.extract_strided_slice %get3A_60 {offsets = [111, 0], sizes = [1, 512], strides = [1, 1]} : vector<320x512xf32> to vector<1x512xf32>
    %add3A_288 = arith.addf %add3A_286, %slice3A_287 : vector<1x512xf32>
    %mul3A_289 = arith.constant 2.500000e-01 : f32
    %mul3A_290 = vector.broadcast %mul3A_289 : f32 to vector<1x512xf32>
    %mul3A_291 = arith.mulf %add3A_288, %mul3A_290 : vector<1x512xf32>
    %slice3A_292 = vector.extract_strided_slice %get3A_60 {offsets = [114, 0], sizes = [1, 512], strides = [1, 1]} : vector<320x512xf32> to vector<1x512xf32>
    %sub3A_293 = arith.subf %slice3A_292, %slice3A_14 : vector<1x512xf32>
    %slice3A_294 = vector.extract_strided_slice %get3A_60 {offsets = [113, 0], sizes = [1, 512], strides = [1, 1]} : vector<320x512xf32> to vector<1x512xf32>
    %sub3A_295 = arith.subf %slice3A_294, %slice3A_13 : vector<1x512xf32>
    %slice3A_296 = vector.extract_strided_slice %get3A_60 {offsets = [112, 0], sizes = [1, 512], strides = [1, 1]} : vector<320x512xf32> to vector<1x512xf32>
    %sub3A_297 = arith.subf %slice3A_296, %slice3A_12 : vector<1x512xf32>
    %sub3A_298 = vector.broadcast %sub3A_293 : vector<1x512xf32> to vector<8x512xf32>
    %sub3A_299 = arith.subf %sub3A_298, %slice3A : vector<8x512xf32>
    %integer_pow3A_300 = arith.mulf %sub3A_299, %sub3A_299 : vector<8x512xf32>
    %mul3A_301 = arith.mulf %integer_pow3A_300, %div3A_28 : vector<8x512xf32>
    %mul3A_302 = arith.constant 2.000000e+00 : f32
    %mul3A_303 = vector.broadcast %mul3A_302 : f32 to vector<8x512xf32>
    %mul3A_304 = arith.mulf %mul3A_303, %slice3A_6 : vector<8x512xf32>
    %add3A_305 = arith.addf %mul3A_301, %mul3A_304 : vector<8x512xf32>
    %add3A_306 = arith.constant 0.000000e+00 : f32
    %add3A_307 = vector.broadcast %add3A_306 : f32 to vector<8x512xf32>
    %add3A_308 = arith.addf %add3A_307, %add3A_305 : vector<8x512xf32>
    %sub3A_309 = vector.broadcast %sub3A_295 : vector<1x512xf32> to vector<8x512xf32>
    %sub3A_310 = arith.subf %sub3A_309, %slice3A_4 : vector<8x512xf32>
    %integer_pow3A_311 = arith.mulf %sub3A_310, %sub3A_310 : vector<8x512xf32>
    %mul3A_312 = arith.mulf %integer_pow3A_311, %div3A_38 : vector<8x512xf32>
    %mul3A_313 = arith.constant 2.000000e+00 : f32
    %mul3A_314 = vector.broadcast %mul3A_313 : f32 to vector<8x512xf32>
    %mul3A_315 = arith.mulf %mul3A_314, %slice3A_7 : vector<8x512xf32>
    %add3A_316 = arith.addf %mul3A_312, %mul3A_315 : vector<8x512xf32>
    %add3A_317 = arith.addf %add3A_308, %add3A_316 : vector<8x512xf32>
    %sub3A_318 = vector.broadcast %sub3A_297 : vector<1x512xf32> to vector<8x512xf32>
    %sub3A_319 = arith.subf %sub3A_318, %slice3A_5 : vector<8x512xf32>
    %integer_pow3A_320 = arith.mulf %sub3A_319, %sub3A_319 : vector<8x512xf32>
    %mul3A_321 = arith.mulf %integer_pow3A_320, %div3A_48 : vector<8x512xf32>
    %mul3A_322 = arith.constant 2.000000e+00 : f32
    %mul3A_323 = vector.broadcast %mul3A_322 : f32 to vector<8x512xf32>
    %mul3A_324 = arith.mulf %mul3A_323, %slice3A_8 : vector<8x512xf32>
    %add3A_325 = arith.addf %mul3A_321, %mul3A_324 : vector<8x512xf32>
    %add3A_326 = arith.addf %add3A_317, %add3A_325 : vector<8x512xf32>
    %add3A_327 = arith.constant 5.51363134 : f32
    %add3A_328 = vector.broadcast %add3A_327 : f32 to vector<8x512xf32>
    %add3A_329 = arith.addf %add3A_326, %add3A_328 : vector<8x512xf32>
    %mul3A_330 = arith.constant -5.000000e-01 : f32
    %mul3A_331 = vector.broadcast %mul3A_330 : f32 to vector<8x512xf32>
    %mul3A_332 = arith.mulf %mul3A_331, %add3A_329 : vector<8x512xf32>
    %add3A_333 = arith.addf %mul3A_332, %sub3A_57 : vector<8x512xf32>
    %reduce_max3A_334 = arith.constant dense<0xFF800000> : vector<512xf32>
    %reduce_max3A_335 = vector.multi_reduction <maximumf>, %add3A_333, %reduce_max3A_334 [0] : vector<8x512xf32> to vector<512xf32>
    %broadcast_in_dim3A_336 = vector.shape_cast %reduce_max3A_335 : vector<512xf32> to vector<1x512xf32>
    %sub3A_337 = vector.broadcast %broadcast_in_dim3A_336 : vector<1x512xf32> to vector<8x512xf32>
    %sub3A_338 = arith.subf %add3A_333, %sub3A_337 : vector<8x512xf32>
    %exp3A_339 = math.exp %sub3A_338 : vector<8x512xf32>
    %reduce_sum3A_340 = arith.constant dense<0.000000e+00> : vector<512xf32>
    %reduce_sum3A_341 = vector.multi_reduction <add>, %exp3A_339, %reduce_sum3A_340 [0] : vector<8x512xf32> to vector<512xf32>
    %broadcast_in_dim3A_342 = vector.shape_cast %reduce_sum3A_341 : vector<512xf32> to vector<1x512xf32>
    %log3A_343 = math.log %broadcast_in_dim3A_342 : vector<1x512xf32>
    %add3A_344 = arith.addf %broadcast_in_dim3A_336, %log3A_343 : vector<1x512xf32>
    %add3A_345 = arith.addf %add3A_272, %add3A_344 : vector<1x512xf32>
    %sub3A_346 = vector.broadcast %mul3A_291 : vector<1x512xf32> to vector<8x512xf32>
    %sub3A_347 = arith.subf %slice3A_11, %sub3A_346 : vector<8x512xf32>
    %abs3A_348 = math.absf %sub3A_347 : vector<8x512xf32>
    %mul3A_349 = arith.mulf %exp3A_339, %abs3A_348 : vector<8x512xf32>
    %reduce_sum3A_350 = arith.constant dense<0.000000e+00> : vector<512xf32>
    %reduce_sum3A_351 = vector.multi_reduction <add>, %mul3A_349, %reduce_sum3A_350 [0] : vector<8x512xf32> to vector<512xf32>
    %broadcast_in_dim3A_352 = vector.shape_cast %reduce_sum3A_351 : vector<512xf32> to vector<1x512xf32>
    %div3A_353 = arith.divf %broadcast_in_dim3A_352, %broadcast_in_dim3A_342 : vector<1x512xf32>
    %add3A_354 = arith.addf %add3A_281, %div3A_353 : vector<1x512xf32>
    %slice3A_355 = vector.extract_strided_slice %get3A_60 {offsets = [131, 0], sizes = [1, 512], strides = [1, 1]} : vector<320x512xf32> to vector<1x512xf32>
    %slice3A_356 = vector.extract_strided_slice %get3A_60 {offsets = [135, 0], sizes = [1, 512], strides = [1, 1]} : vector<320x512xf32> to vector<1x512xf32>
    %add3A_357 = arith.addf %slice3A_355, %slice3A_356 : vector<1x512xf32>
    %slice3A_358 = vector.extract_strided_slice %get3A_60 {offsets = [139, 0], sizes = [1, 512], strides = [1, 1]} : vector<320x512xf32> to vector<1x512xf32>
    %add3A_359 = arith.addf %add3A_357, %slice3A_358 : vector<1x512xf32>
    %slice3A_360 = vector.extract_strided_slice %get3A_60 {offsets = [143, 0], sizes = [1, 512], strides = [1, 1]} : vector<320x512xf32> to vector<1x512xf32>
    %add3A_361 = arith.addf %add3A_359, %slice3A_360 : vector<1x512xf32>
    %mul3A_362 = arith.constant 2.500000e-01 : f32
    %mul3A_363 = vector.broadcast %mul3A_362 : f32 to vector<1x512xf32>
    %mul3A_364 = arith.mulf %add3A_361, %mul3A_363 : vector<1x512xf32>
    %slice3A_365 = vector.extract_strided_slice %get3A_60 {offsets = [146, 0], sizes = [1, 512], strides = [1, 1]} : vector<320x512xf32> to vector<1x512xf32>
    %sub3A_366 = arith.subf %slice3A_365, %slice3A_14 : vector<1x512xf32>
    %slice3A_367 = vector.extract_strided_slice %get3A_60 {offsets = [145, 0], sizes = [1, 512], strides = [1, 1]} : vector<320x512xf32> to vector<1x512xf32>
    %sub3A_368 = arith.subf %slice3A_367, %slice3A_13 : vector<1x512xf32>
    %slice3A_369 = vector.extract_strided_slice %get3A_60 {offsets = [144, 0], sizes = [1, 512], strides = [1, 1]} : vector<320x512xf32> to vector<1x512xf32>
    %sub3A_370 = arith.subf %slice3A_369, %slice3A_12 : vector<1x512xf32>
    %sub3A_371 = vector.broadcast %sub3A_366 : vector<1x512xf32> to vector<8x512xf32>
    %sub3A_372 = arith.subf %sub3A_371, %slice3A : vector<8x512xf32>
    %integer_pow3A_373 = arith.mulf %sub3A_372, %sub3A_372 : vector<8x512xf32>
    %mul3A_374 = arith.mulf %integer_pow3A_373, %div3A_28 : vector<8x512xf32>
    %mul3A_375 = arith.constant 2.000000e+00 : f32
    %mul3A_376 = vector.broadcast %mul3A_375 : f32 to vector<8x512xf32>
    %mul3A_377 = arith.mulf %mul3A_376, %slice3A_6 : vector<8x512xf32>
    %add3A_378 = arith.addf %mul3A_374, %mul3A_377 : vector<8x512xf32>
    %add3A_379 = arith.constant 0.000000e+00 : f32
    %add3A_380 = vector.broadcast %add3A_379 : f32 to vector<8x512xf32>
    %add3A_381 = arith.addf %add3A_380, %add3A_378 : vector<8x512xf32>
    %sub3A_382 = vector.broadcast %sub3A_368 : vector<1x512xf32> to vector<8x512xf32>
    %sub3A_383 = arith.subf %sub3A_382, %slice3A_4 : vector<8x512xf32>
    %integer_pow3A_384 = arith.mulf %sub3A_383, %sub3A_383 : vector<8x512xf32>
    %mul3A_385 = arith.mulf %integer_pow3A_384, %div3A_38 : vector<8x512xf32>
    %mul3A_386 = arith.constant 2.000000e+00 : f32
    %mul3A_387 = vector.broadcast %mul3A_386 : f32 to vector<8x512xf32>
    %mul3A_388 = arith.mulf %mul3A_387, %slice3A_7 : vector<8x512xf32>
    %add3A_389 = arith.addf %mul3A_385, %mul3A_388 : vector<8x512xf32>
    %add3A_390 = arith.addf %add3A_381, %add3A_389 : vector<8x512xf32>
    %sub3A_391 = vector.broadcast %sub3A_370 : vector<1x512xf32> to vector<8x512xf32>
    %sub3A_392 = arith.subf %sub3A_391, %slice3A_5 : vector<8x512xf32>
    %integer_pow3A_393 = arith.mulf %sub3A_392, %sub3A_392 : vector<8x512xf32>
    %mul3A_394 = arith.mulf %integer_pow3A_393, %div3A_48 : vector<8x512xf32>
    %mul3A_395 = arith.constant 2.000000e+00 : f32
    %mul3A_396 = vector.broadcast %mul3A_395 : f32 to vector<8x512xf32>
    %mul3A_397 = arith.mulf %mul3A_396, %slice3A_8 : vector<8x512xf32>
    %add3A_398 = arith.addf %mul3A_394, %mul3A_397 : vector<8x512xf32>
    %add3A_399 = arith.addf %add3A_390, %add3A_398 : vector<8x512xf32>
    %add3A_400 = arith.constant 5.51363134 : f32
    %add3A_401 = vector.broadcast %add3A_400 : f32 to vector<8x512xf32>
    %add3A_402 = arith.addf %add3A_399, %add3A_401 : vector<8x512xf32>
    %mul3A_403 = arith.constant -5.000000e-01 : f32
    %mul3A_404 = vector.broadcast %mul3A_403 : f32 to vector<8x512xf32>
    %mul3A_405 = arith.mulf %mul3A_404, %add3A_402 : vector<8x512xf32>
    %add3A_406 = arith.addf %mul3A_405, %sub3A_57 : vector<8x512xf32>
    %reduce_max3A_407 = arith.constant dense<0xFF800000> : vector<512xf32>
    %reduce_max3A_408 = vector.multi_reduction <maximumf>, %add3A_406, %reduce_max3A_407 [0] : vector<8x512xf32> to vector<512xf32>
    %broadcast_in_dim3A_409 = vector.shape_cast %reduce_max3A_408 : vector<512xf32> to vector<1x512xf32>
    %sub3A_410 = vector.broadcast %broadcast_in_dim3A_409 : vector<1x512xf32> to vector<8x512xf32>
    %sub3A_411 = arith.subf %add3A_406, %sub3A_410 : vector<8x512xf32>
    %exp3A_412 = math.exp %sub3A_411 : vector<8x512xf32>
    %reduce_sum3A_413 = arith.constant dense<0.000000e+00> : vector<512xf32>
    %reduce_sum3A_414 = vector.multi_reduction <add>, %exp3A_412, %reduce_sum3A_413 [0] : vector<8x512xf32> to vector<512xf32>
    %broadcast_in_dim3A_415 = vector.shape_cast %reduce_sum3A_414 : vector<512xf32> to vector<1x512xf32>
    %log3A_416 = math.log %broadcast_in_dim3A_415 : vector<1x512xf32>
    %add3A_417 = arith.addf %broadcast_in_dim3A_409, %log3A_416 : vector<1x512xf32>
    %add3A_418 = arith.addf %add3A_345, %add3A_417 : vector<1x512xf32>
    %sub3A_419 = vector.broadcast %mul3A_364 : vector<1x512xf32> to vector<8x512xf32>
    %sub3A_420 = arith.subf %slice3A_11, %sub3A_419 : vector<8x512xf32>
    %abs3A_421 = math.absf %sub3A_420 : vector<8x512xf32>
    %mul3A_422 = arith.mulf %exp3A_412, %abs3A_421 : vector<8x512xf32>
    %reduce_sum3A_423 = arith.constant dense<0.000000e+00> : vector<512xf32>
    %reduce_sum3A_424 = vector.multi_reduction <add>, %mul3A_422, %reduce_sum3A_423 [0] : vector<8x512xf32> to vector<512xf32>
    %broadcast_in_dim3A_425 = vector.shape_cast %reduce_sum3A_424 : vector<512xf32> to vector<1x512xf32>
    %div3A_426 = arith.divf %broadcast_in_dim3A_425, %broadcast_in_dim3A_415 : vector<1x512xf32>
    %add3A_427 = arith.addf %add3A_354, %div3A_426 : vector<1x512xf32>
    %slice3A_428 = vector.extract_strided_slice %get3A_60 {offsets = [163, 0], sizes = [1, 512], strides = [1, 1]} : vector<320x512xf32> to vector<1x512xf32>
    %slice3A_429 = vector.extract_strided_slice %get3A_60 {offsets = [167, 0], sizes = [1, 512], strides = [1, 1]} : vector<320x512xf32> to vector<1x512xf32>
    %add3A_430 = arith.addf %slice3A_428, %slice3A_429 : vector<1x512xf32>
    %slice3A_431 = vector.extract_strided_slice %get3A_60 {offsets = [171, 0], sizes = [1, 512], strides = [1, 1]} : vector<320x512xf32> to vector<1x512xf32>
    %add3A_432 = arith.addf %add3A_430, %slice3A_431 : vector<1x512xf32>
    %slice3A_433 = vector.extract_strided_slice %get3A_60 {offsets = [175, 0], sizes = [1, 512], strides = [1, 1]} : vector<320x512xf32> to vector<1x512xf32>
    %add3A_434 = arith.addf %add3A_432, %slice3A_433 : vector<1x512xf32>
    %mul3A_435 = arith.constant 2.500000e-01 : f32
    %mul3A_436 = vector.broadcast %mul3A_435 : f32 to vector<1x512xf32>
    %mul3A_437 = arith.mulf %add3A_434, %mul3A_436 : vector<1x512xf32>
    %slice3A_438 = vector.extract_strided_slice %get3A_60 {offsets = [178, 0], sizes = [1, 512], strides = [1, 1]} : vector<320x512xf32> to vector<1x512xf32>
    %sub3A_439 = arith.subf %slice3A_438, %slice3A_14 : vector<1x512xf32>
    %slice3A_440 = vector.extract_strided_slice %get3A_60 {offsets = [177, 0], sizes = [1, 512], strides = [1, 1]} : vector<320x512xf32> to vector<1x512xf32>
    %sub3A_441 = arith.subf %slice3A_440, %slice3A_13 : vector<1x512xf32>
    %slice3A_442 = vector.extract_strided_slice %get3A_60 {offsets = [176, 0], sizes = [1, 512], strides = [1, 1]} : vector<320x512xf32> to vector<1x512xf32>
    %sub3A_443 = arith.subf %slice3A_442, %slice3A_12 : vector<1x512xf32>
    %sub3A_444 = vector.broadcast %sub3A_439 : vector<1x512xf32> to vector<8x512xf32>
    %sub3A_445 = arith.subf %sub3A_444, %slice3A : vector<8x512xf32>
    %integer_pow3A_446 = arith.mulf %sub3A_445, %sub3A_445 : vector<8x512xf32>
    %mul3A_447 = arith.mulf %integer_pow3A_446, %div3A_28 : vector<8x512xf32>
    %mul3A_448 = arith.constant 2.000000e+00 : f32
    %mul3A_449 = vector.broadcast %mul3A_448 : f32 to vector<8x512xf32>
    %mul3A_450 = arith.mulf %mul3A_449, %slice3A_6 : vector<8x512xf32>
    %add3A_451 = arith.addf %mul3A_447, %mul3A_450 : vector<8x512xf32>
    %add3A_452 = arith.constant 0.000000e+00 : f32
    %add3A_453 = vector.broadcast %add3A_452 : f32 to vector<8x512xf32>
    %add3A_454 = arith.addf %add3A_453, %add3A_451 : vector<8x512xf32>
    %sub3A_455 = vector.broadcast %sub3A_441 : vector<1x512xf32> to vector<8x512xf32>
    %sub3A_456 = arith.subf %sub3A_455, %slice3A_4 : vector<8x512xf32>
    %integer_pow3A_457 = arith.mulf %sub3A_456, %sub3A_456 : vector<8x512xf32>
    %mul3A_458 = arith.mulf %integer_pow3A_457, %div3A_38 : vector<8x512xf32>
    %mul3A_459 = arith.constant 2.000000e+00 : f32
    %mul3A_460 = vector.broadcast %mul3A_459 : f32 to vector<8x512xf32>
    %mul3A_461 = arith.mulf %mul3A_460, %slice3A_7 : vector<8x512xf32>
    %add3A_462 = arith.addf %mul3A_458, %mul3A_461 : vector<8x512xf32>
    %add3A_463 = arith.addf %add3A_454, %add3A_462 : vector<8x512xf32>
    %sub3A_464 = vector.broadcast %sub3A_443 : vector<1x512xf32> to vector<8x512xf32>
    %sub3A_465 = arith.subf %sub3A_464, %slice3A_5 : vector<8x512xf32>
    %integer_pow3A_466 = arith.mulf %sub3A_465, %sub3A_465 : vector<8x512xf32>
    %mul3A_467 = arith.mulf %integer_pow3A_466, %div3A_48 : vector<8x512xf32>
    %mul3A_468 = arith.constant 2.000000e+00 : f32
    %mul3A_469 = vector.broadcast %mul3A_468 : f32 to vector<8x512xf32>
    %mul3A_470 = arith.mulf %mul3A_469, %slice3A_8 : vector<8x512xf32>
    %add3A_471 = arith.addf %mul3A_467, %mul3A_470 : vector<8x512xf32>
    %add3A_472 = arith.addf %add3A_463, %add3A_471 : vector<8x512xf32>
    %add3A_473 = arith.constant 5.51363134 : f32
    %add3A_474 = vector.broadcast %add3A_473 : f32 to vector<8x512xf32>
    %add3A_475 = arith.addf %add3A_472, %add3A_474 : vector<8x512xf32>
    %mul3A_476 = arith.constant -5.000000e-01 : f32
    %mul3A_477 = vector.broadcast %mul3A_476 : f32 to vector<8x512xf32>
    %mul3A_478 = arith.mulf %mul3A_477, %add3A_475 : vector<8x512xf32>
    %add3A_479 = arith.addf %mul3A_478, %sub3A_57 : vector<8x512xf32>
    %reduce_max3A_480 = arith.constant dense<0xFF800000> : vector<512xf32>
    %reduce_max3A_481 = vector.multi_reduction <maximumf>, %add3A_479, %reduce_max3A_480 [0] : vector<8x512xf32> to vector<512xf32>
    %broadcast_in_dim3A_482 = vector.shape_cast %reduce_max3A_481 : vector<512xf32> to vector<1x512xf32>
    %sub3A_483 = vector.broadcast %broadcast_in_dim3A_482 : vector<1x512xf32> to vector<8x512xf32>
    %sub3A_484 = arith.subf %add3A_479, %sub3A_483 : vector<8x512xf32>
    %exp3A_485 = math.exp %sub3A_484 : vector<8x512xf32>
    %reduce_sum3A_486 = arith.constant dense<0.000000e+00> : vector<512xf32>
    %reduce_sum3A_487 = vector.multi_reduction <add>, %exp3A_485, %reduce_sum3A_486 [0] : vector<8x512xf32> to vector<512xf32>
    %broadcast_in_dim3A_488 = vector.shape_cast %reduce_sum3A_487 : vector<512xf32> to vector<1x512xf32>
    %log3A_489 = math.log %broadcast_in_dim3A_488 : vector<1x512xf32>
    %add3A_490 = arith.addf %broadcast_in_dim3A_482, %log3A_489 : vector<1x512xf32>
    %add3A_491 = arith.addf %add3A_418, %add3A_490 : vector<1x512xf32>
    %sub3A_492 = vector.broadcast %mul3A_437 : vector<1x512xf32> to vector<8x512xf32>
    %sub3A_493 = arith.subf %slice3A_11, %sub3A_492 : vector<8x512xf32>
    %abs3A_494 = math.absf %sub3A_493 : vector<8x512xf32>
    %mul3A_495 = arith.mulf %exp3A_485, %abs3A_494 : vector<8x512xf32>
    %reduce_sum3A_496 = arith.constant dense<0.000000e+00> : vector<512xf32>
    %reduce_sum3A_497 = vector.multi_reduction <add>, %mul3A_495, %reduce_sum3A_496 [0] : vector<8x512xf32> to vector<512xf32>
    %broadcast_in_dim3A_498 = vector.shape_cast %reduce_sum3A_497 : vector<512xf32> to vector<1x512xf32>
    %div3A_499 = arith.divf %broadcast_in_dim3A_498, %broadcast_in_dim3A_488 : vector<1x512xf32>
    %add3A_500 = arith.addf %add3A_427, %div3A_499 : vector<1x512xf32>
    %slice3A_501 = vector.extract_strided_slice %get3A_60 {offsets = [195, 0], sizes = [1, 512], strides = [1, 1]} : vector<320x512xf32> to vector<1x512xf32>
    %slice3A_502 = vector.extract_strided_slice %get3A_60 {offsets = [199, 0], sizes = [1, 512], strides = [1, 1]} : vector<320x512xf32> to vector<1x512xf32>
    %add3A_503 = arith.addf %slice3A_501, %slice3A_502 : vector<1x512xf32>
    %slice3A_504 = vector.extract_strided_slice %get3A_60 {offsets = [203, 0], sizes = [1, 512], strides = [1, 1]} : vector<320x512xf32> to vector<1x512xf32>
    %add3A_505 = arith.addf %add3A_503, %slice3A_504 : vector<1x512xf32>
    %slice3A_506 = vector.extract_strided_slice %get3A_60 {offsets = [207, 0], sizes = [1, 512], strides = [1, 1]} : vector<320x512xf32> to vector<1x512xf32>
    %add3A_507 = arith.addf %add3A_505, %slice3A_506 : vector<1x512xf32>
    %mul3A_508 = arith.constant 2.500000e-01 : f32
    %mul3A_509 = vector.broadcast %mul3A_508 : f32 to vector<1x512xf32>
    %mul3A_510 = arith.mulf %add3A_507, %mul3A_509 : vector<1x512xf32>
    %slice3A_511 = vector.extract_strided_slice %get3A_60 {offsets = [210, 0], sizes = [1, 512], strides = [1, 1]} : vector<320x512xf32> to vector<1x512xf32>
    %sub3A_512 = arith.subf %slice3A_511, %slice3A_14 : vector<1x512xf32>
    %slice3A_513 = vector.extract_strided_slice %get3A_60 {offsets = [209, 0], sizes = [1, 512], strides = [1, 1]} : vector<320x512xf32> to vector<1x512xf32>
    %sub3A_514 = arith.subf %slice3A_513, %slice3A_13 : vector<1x512xf32>
    %slice3A_515 = vector.extract_strided_slice %get3A_60 {offsets = [208, 0], sizes = [1, 512], strides = [1, 1]} : vector<320x512xf32> to vector<1x512xf32>
    %sub3A_516 = arith.subf %slice3A_515, %slice3A_12 : vector<1x512xf32>
    %sub3A_517 = vector.broadcast %sub3A_512 : vector<1x512xf32> to vector<8x512xf32>
    %sub3A_518 = arith.subf %sub3A_517, %slice3A : vector<8x512xf32>
    %integer_pow3A_519 = arith.mulf %sub3A_518, %sub3A_518 : vector<8x512xf32>
    %mul3A_520 = arith.mulf %integer_pow3A_519, %div3A_28 : vector<8x512xf32>
    %mul3A_521 = arith.constant 2.000000e+00 : f32
    %mul3A_522 = vector.broadcast %mul3A_521 : f32 to vector<8x512xf32>
    %mul3A_523 = arith.mulf %mul3A_522, %slice3A_6 : vector<8x512xf32>
    %add3A_524 = arith.addf %mul3A_520, %mul3A_523 : vector<8x512xf32>
    %add3A_525 = arith.constant 0.000000e+00 : f32
    %add3A_526 = vector.broadcast %add3A_525 : f32 to vector<8x512xf32>
    %add3A_527 = arith.addf %add3A_526, %add3A_524 : vector<8x512xf32>
    %sub3A_528 = vector.broadcast %sub3A_514 : vector<1x512xf32> to vector<8x512xf32>
    %sub3A_529 = arith.subf %sub3A_528, %slice3A_4 : vector<8x512xf32>
    %integer_pow3A_530 = arith.mulf %sub3A_529, %sub3A_529 : vector<8x512xf32>
    %mul3A_531 = arith.mulf %integer_pow3A_530, %div3A_38 : vector<8x512xf32>
    %mul3A_532 = arith.constant 2.000000e+00 : f32
    %mul3A_533 = vector.broadcast %mul3A_532 : f32 to vector<8x512xf32>
    %mul3A_534 = arith.mulf %mul3A_533, %slice3A_7 : vector<8x512xf32>
    %add3A_535 = arith.addf %mul3A_531, %mul3A_534 : vector<8x512xf32>
    %add3A_536 = arith.addf %add3A_527, %add3A_535 : vector<8x512xf32>
    %sub3A_537 = vector.broadcast %sub3A_516 : vector<1x512xf32> to vector<8x512xf32>
    %sub3A_538 = arith.subf %sub3A_537, %slice3A_5 : vector<8x512xf32>
    %integer_pow3A_539 = arith.mulf %sub3A_538, %sub3A_538 : vector<8x512xf32>
    %mul3A_540 = arith.mulf %integer_pow3A_539, %div3A_48 : vector<8x512xf32>
    %mul3A_541 = arith.constant 2.000000e+00 : f32
    %mul3A_542 = vector.broadcast %mul3A_541 : f32 to vector<8x512xf32>
    %mul3A_543 = arith.mulf %mul3A_542, %slice3A_8 : vector<8x512xf32>
    %add3A_544 = arith.addf %mul3A_540, %mul3A_543 : vector<8x512xf32>
    %add3A_545 = arith.addf %add3A_536, %add3A_544 : vector<8x512xf32>
    %add3A_546 = arith.constant 5.51363134 : f32
    %add3A_547 = vector.broadcast %add3A_546 : f32 to vector<8x512xf32>
    %add3A_548 = arith.addf %add3A_545, %add3A_547 : vector<8x512xf32>
    %mul3A_549 = arith.constant -5.000000e-01 : f32
    %mul3A_550 = vector.broadcast %mul3A_549 : f32 to vector<8x512xf32>
    %mul3A_551 = arith.mulf %mul3A_550, %add3A_548 : vector<8x512xf32>
    %add3A_552 = arith.addf %mul3A_551, %sub3A_57 : vector<8x512xf32>
    %reduce_max3A_553 = arith.constant dense<0xFF800000> : vector<512xf32>
    %reduce_max3A_554 = vector.multi_reduction <maximumf>, %add3A_552, %reduce_max3A_553 [0] : vector<8x512xf32> to vector<512xf32>
    %broadcast_in_dim3A_555 = vector.shape_cast %reduce_max3A_554 : vector<512xf32> to vector<1x512xf32>
    %sub3A_556 = vector.broadcast %broadcast_in_dim3A_555 : vector<1x512xf32> to vector<8x512xf32>
    %sub3A_557 = arith.subf %add3A_552, %sub3A_556 : vector<8x512xf32>
    %exp3A_558 = math.exp %sub3A_557 : vector<8x512xf32>
    %reduce_sum3A_559 = arith.constant dense<0.000000e+00> : vector<512xf32>
    %reduce_sum3A_560 = vector.multi_reduction <add>, %exp3A_558, %reduce_sum3A_559 [0] : vector<8x512xf32> to vector<512xf32>
    %broadcast_in_dim3A_561 = vector.shape_cast %reduce_sum3A_560 : vector<512xf32> to vector<1x512xf32>
    %log3A_562 = math.log %broadcast_in_dim3A_561 : vector<1x512xf32>
    %add3A_563 = arith.addf %broadcast_in_dim3A_555, %log3A_562 : vector<1x512xf32>
    %add3A_564 = arith.addf %add3A_491, %add3A_563 : vector<1x512xf32>
    %sub3A_565 = vector.broadcast %mul3A_510 : vector<1x512xf32> to vector<8x512xf32>
    %sub3A_566 = arith.subf %slice3A_11, %sub3A_565 : vector<8x512xf32>
    %abs3A_567 = math.absf %sub3A_566 : vector<8x512xf32>
    %mul3A_568 = arith.mulf %exp3A_558, %abs3A_567 : vector<8x512xf32>
    %reduce_sum3A_569 = arith.constant dense<0.000000e+00> : vector<512xf32>
    %reduce_sum3A_570 = vector.multi_reduction <add>, %mul3A_568, %reduce_sum3A_569 [0] : vector<8x512xf32> to vector<512xf32>
    %broadcast_in_dim3A_571 = vector.shape_cast %reduce_sum3A_570 : vector<512xf32> to vector<1x512xf32>
    %div3A_572 = arith.divf %broadcast_in_dim3A_571, %broadcast_in_dim3A_561 : vector<1x512xf32>
    %add3A_573 = arith.addf %add3A_500, %div3A_572 : vector<1x512xf32>
    %slice3A_574 = vector.extract_strided_slice %get3A_60 {offsets = [227, 0], sizes = [1, 512], strides = [1, 1]} : vector<320x512xf32> to vector<1x512xf32>
    %slice3A_575 = vector.extract_strided_slice %get3A_60 {offsets = [231, 0], sizes = [1, 512], strides = [1, 1]} : vector<320x512xf32> to vector<1x512xf32>
    %add3A_576 = arith.addf %slice3A_574, %slice3A_575 : vector<1x512xf32>
    %slice3A_577 = vector.extract_strided_slice %get3A_60 {offsets = [235, 0], sizes = [1, 512], strides = [1, 1]} : vector<320x512xf32> to vector<1x512xf32>
    %add3A_578 = arith.addf %add3A_576, %slice3A_577 : vector<1x512xf32>
    %slice3A_579 = vector.extract_strided_slice %get3A_60 {offsets = [239, 0], sizes = [1, 512], strides = [1, 1]} : vector<320x512xf32> to vector<1x512xf32>
    %add3A_580 = arith.addf %add3A_578, %slice3A_579 : vector<1x512xf32>
    %mul3A_581 = arith.constant 2.500000e-01 : f32
    %mul3A_582 = vector.broadcast %mul3A_581 : f32 to vector<1x512xf32>
    %mul3A_583 = arith.mulf %add3A_580, %mul3A_582 : vector<1x512xf32>
    %slice3A_584 = vector.extract_strided_slice %get3A_60 {offsets = [242, 0], sizes = [1, 512], strides = [1, 1]} : vector<320x512xf32> to vector<1x512xf32>
    %sub3A_585 = arith.subf %slice3A_584, %slice3A_14 : vector<1x512xf32>
    %slice3A_586 = vector.extract_strided_slice %get3A_60 {offsets = [241, 0], sizes = [1, 512], strides = [1, 1]} : vector<320x512xf32> to vector<1x512xf32>
    %sub3A_587 = arith.subf %slice3A_586, %slice3A_13 : vector<1x512xf32>
    %slice3A_588 = vector.extract_strided_slice %get3A_60 {offsets = [240, 0], sizes = [1, 512], strides = [1, 1]} : vector<320x512xf32> to vector<1x512xf32>
    %sub3A_589 = arith.subf %slice3A_588, %slice3A_12 : vector<1x512xf32>
    %sub3A_590 = vector.broadcast %sub3A_585 : vector<1x512xf32> to vector<8x512xf32>
    %sub3A_591 = arith.subf %sub3A_590, %slice3A : vector<8x512xf32>
    %integer_pow3A_592 = arith.mulf %sub3A_591, %sub3A_591 : vector<8x512xf32>
    %mul3A_593 = arith.mulf %integer_pow3A_592, %div3A_28 : vector<8x512xf32>
    %mul3A_594 = arith.constant 2.000000e+00 : f32
    %mul3A_595 = vector.broadcast %mul3A_594 : f32 to vector<8x512xf32>
    %mul3A_596 = arith.mulf %mul3A_595, %slice3A_6 : vector<8x512xf32>
    %add3A_597 = arith.addf %mul3A_593, %mul3A_596 : vector<8x512xf32>
    %add3A_598 = arith.constant 0.000000e+00 : f32
    %add3A_599 = vector.broadcast %add3A_598 : f32 to vector<8x512xf32>
    %add3A_600 = arith.addf %add3A_599, %add3A_597 : vector<8x512xf32>
    %sub3A_601 = vector.broadcast %sub3A_587 : vector<1x512xf32> to vector<8x512xf32>
    %sub3A_602 = arith.subf %sub3A_601, %slice3A_4 : vector<8x512xf32>
    %integer_pow3A_603 = arith.mulf %sub3A_602, %sub3A_602 : vector<8x512xf32>
    %mul3A_604 = arith.mulf %integer_pow3A_603, %div3A_38 : vector<8x512xf32>
    %mul3A_605 = arith.constant 2.000000e+00 : f32
    %mul3A_606 = vector.broadcast %mul3A_605 : f32 to vector<8x512xf32>
    %mul3A_607 = arith.mulf %mul3A_606, %slice3A_7 : vector<8x512xf32>
    %add3A_608 = arith.addf %mul3A_604, %mul3A_607 : vector<8x512xf32>
    %add3A_609 = arith.addf %add3A_600, %add3A_608 : vector<8x512xf32>
    %sub3A_610 = vector.broadcast %sub3A_589 : vector<1x512xf32> to vector<8x512xf32>
    %sub3A_611 = arith.subf %sub3A_610, %slice3A_5 : vector<8x512xf32>
    %integer_pow3A_612 = arith.mulf %sub3A_611, %sub3A_611 : vector<8x512xf32>
    %mul3A_613 = arith.mulf %integer_pow3A_612, %div3A_48 : vector<8x512xf32>
    %mul3A_614 = arith.constant 2.000000e+00 : f32
    %mul3A_615 = vector.broadcast %mul3A_614 : f32 to vector<8x512xf32>
    %mul3A_616 = arith.mulf %mul3A_615, %slice3A_8 : vector<8x512xf32>
    %add3A_617 = arith.addf %mul3A_613, %mul3A_616 : vector<8x512xf32>
    %add3A_618 = arith.addf %add3A_609, %add3A_617 : vector<8x512xf32>
    %add3A_619 = arith.constant 5.51363134 : f32
    %add3A_620 = vector.broadcast %add3A_619 : f32 to vector<8x512xf32>
    %add3A_621 = arith.addf %add3A_618, %add3A_620 : vector<8x512xf32>
    %mul3A_622 = arith.constant -5.000000e-01 : f32
    %mul3A_623 = vector.broadcast %mul3A_622 : f32 to vector<8x512xf32>
    %mul3A_624 = arith.mulf %mul3A_623, %add3A_621 : vector<8x512xf32>
    %add3A_625 = arith.addf %mul3A_624, %sub3A_57 : vector<8x512xf32>
    %reduce_max3A_626 = arith.constant dense<0xFF800000> : vector<512xf32>
    %reduce_max3A_627 = vector.multi_reduction <maximumf>, %add3A_625, %reduce_max3A_626 [0] : vector<8x512xf32> to vector<512xf32>
    %broadcast_in_dim3A_628 = vector.shape_cast %reduce_max3A_627 : vector<512xf32> to vector<1x512xf32>
    %sub3A_629 = vector.broadcast %broadcast_in_dim3A_628 : vector<1x512xf32> to vector<8x512xf32>
    %sub3A_630 = arith.subf %add3A_625, %sub3A_629 : vector<8x512xf32>
    %exp3A_631 = math.exp %sub3A_630 : vector<8x512xf32>
    %reduce_sum3A_632 = arith.constant dense<0.000000e+00> : vector<512xf32>
    %reduce_sum3A_633 = vector.multi_reduction <add>, %exp3A_631, %reduce_sum3A_632 [0] : vector<8x512xf32> to vector<512xf32>
    %broadcast_in_dim3A_634 = vector.shape_cast %reduce_sum3A_633 : vector<512xf32> to vector<1x512xf32>
    %log3A_635 = math.log %broadcast_in_dim3A_634 : vector<1x512xf32>
    %add3A_636 = arith.addf %broadcast_in_dim3A_628, %log3A_635 : vector<1x512xf32>
    %add3A_637 = arith.addf %add3A_564, %add3A_636 : vector<1x512xf32>
    %sub3A_638 = vector.broadcast %mul3A_583 : vector<1x512xf32> to vector<8x512xf32>
    %sub3A_639 = arith.subf %slice3A_11, %sub3A_638 : vector<8x512xf32>
    %abs3A_640 = math.absf %sub3A_639 : vector<8x512xf32>
    %mul3A_641 = arith.mulf %exp3A_631, %abs3A_640 : vector<8x512xf32>
    %reduce_sum3A_642 = arith.constant dense<0.000000e+00> : vector<512xf32>
    %reduce_sum3A_643 = vector.multi_reduction <add>, %mul3A_641, %reduce_sum3A_642 [0] : vector<8x512xf32> to vector<512xf32>
    %broadcast_in_dim3A_644 = vector.shape_cast %reduce_sum3A_643 : vector<512xf32> to vector<1x512xf32>
    %div3A_645 = arith.divf %broadcast_in_dim3A_644, %broadcast_in_dim3A_634 : vector<1x512xf32>
    %add3A_646 = arith.addf %add3A_573, %div3A_645 : vector<1x512xf32>
    %slice3A_647 = vector.extract_strided_slice %get3A_60 {offsets = [259, 0], sizes = [1, 512], strides = [1, 1]} : vector<320x512xf32> to vector<1x512xf32>
    %slice3A_648 = vector.extract_strided_slice %get3A_60 {offsets = [263, 0], sizes = [1, 512], strides = [1, 1]} : vector<320x512xf32> to vector<1x512xf32>
    %add3A_649 = arith.addf %slice3A_647, %slice3A_648 : vector<1x512xf32>
    %slice3A_650 = vector.extract_strided_slice %get3A_60 {offsets = [267, 0], sizes = [1, 512], strides = [1, 1]} : vector<320x512xf32> to vector<1x512xf32>
    %add3A_651 = arith.addf %add3A_649, %slice3A_650 : vector<1x512xf32>
    %slice3A_652 = vector.extract_strided_slice %get3A_60 {offsets = [271, 0], sizes = [1, 512], strides = [1, 1]} : vector<320x512xf32> to vector<1x512xf32>
    %add3A_653 = arith.addf %add3A_651, %slice3A_652 : vector<1x512xf32>
    %mul3A_654 = arith.constant 2.500000e-01 : f32
    %mul3A_655 = vector.broadcast %mul3A_654 : f32 to vector<1x512xf32>
    %mul3A_656 = arith.mulf %add3A_653, %mul3A_655 : vector<1x512xf32>
    %slice3A_657 = vector.extract_strided_slice %get3A_60 {offsets = [274, 0], sizes = [1, 512], strides = [1, 1]} : vector<320x512xf32> to vector<1x512xf32>
    %sub3A_658 = arith.subf %slice3A_657, %slice3A_14 : vector<1x512xf32>
    %slice3A_659 = vector.extract_strided_slice %get3A_60 {offsets = [273, 0], sizes = [1, 512], strides = [1, 1]} : vector<320x512xf32> to vector<1x512xf32>
    %sub3A_660 = arith.subf %slice3A_659, %slice3A_13 : vector<1x512xf32>
    %slice3A_661 = vector.extract_strided_slice %get3A_60 {offsets = [272, 0], sizes = [1, 512], strides = [1, 1]} : vector<320x512xf32> to vector<1x512xf32>
    %sub3A_662 = arith.subf %slice3A_661, %slice3A_12 : vector<1x512xf32>
    %sub3A_663 = vector.broadcast %sub3A_658 : vector<1x512xf32> to vector<8x512xf32>
    %sub3A_664 = arith.subf %sub3A_663, %slice3A : vector<8x512xf32>
    %integer_pow3A_665 = arith.mulf %sub3A_664, %sub3A_664 : vector<8x512xf32>
    %mul3A_666 = arith.mulf %integer_pow3A_665, %div3A_28 : vector<8x512xf32>
    %mul3A_667 = arith.constant 2.000000e+00 : f32
    %mul3A_668 = vector.broadcast %mul3A_667 : f32 to vector<8x512xf32>
    %mul3A_669 = arith.mulf %mul3A_668, %slice3A_6 : vector<8x512xf32>
    %add3A_670 = arith.addf %mul3A_666, %mul3A_669 : vector<8x512xf32>
    %add3A_671 = arith.constant 0.000000e+00 : f32
    %add3A_672 = vector.broadcast %add3A_671 : f32 to vector<8x512xf32>
    %add3A_673 = arith.addf %add3A_672, %add3A_670 : vector<8x512xf32>
    %sub3A_674 = vector.broadcast %sub3A_660 : vector<1x512xf32> to vector<8x512xf32>
    %sub3A_675 = arith.subf %sub3A_674, %slice3A_4 : vector<8x512xf32>
    %integer_pow3A_676 = arith.mulf %sub3A_675, %sub3A_675 : vector<8x512xf32>
    %mul3A_677 = arith.mulf %integer_pow3A_676, %div3A_38 : vector<8x512xf32>
    %mul3A_678 = arith.constant 2.000000e+00 : f32
    %mul3A_679 = vector.broadcast %mul3A_678 : f32 to vector<8x512xf32>
    %mul3A_680 = arith.mulf %mul3A_679, %slice3A_7 : vector<8x512xf32>
    %add3A_681 = arith.addf %mul3A_677, %mul3A_680 : vector<8x512xf32>
    %add3A_682 = arith.addf %add3A_673, %add3A_681 : vector<8x512xf32>
    %sub3A_683 = vector.broadcast %sub3A_662 : vector<1x512xf32> to vector<8x512xf32>
    %sub3A_684 = arith.subf %sub3A_683, %slice3A_5 : vector<8x512xf32>
    %integer_pow3A_685 = arith.mulf %sub3A_684, %sub3A_684 : vector<8x512xf32>
    %mul3A_686 = arith.mulf %integer_pow3A_685, %div3A_48 : vector<8x512xf32>
    %mul3A_687 = arith.constant 2.000000e+00 : f32
    %mul3A_688 = vector.broadcast %mul3A_687 : f32 to vector<8x512xf32>
    %mul3A_689 = arith.mulf %mul3A_688, %slice3A_8 : vector<8x512xf32>
    %add3A_690 = arith.addf %mul3A_686, %mul3A_689 : vector<8x512xf32>
    %add3A_691 = arith.addf %add3A_682, %add3A_690 : vector<8x512xf32>
    %add3A_692 = arith.constant 5.51363134 : f32
    %add3A_693 = vector.broadcast %add3A_692 : f32 to vector<8x512xf32>
    %add3A_694 = arith.addf %add3A_691, %add3A_693 : vector<8x512xf32>
    %mul3A_695 = arith.constant -5.000000e-01 : f32
    %mul3A_696 = vector.broadcast %mul3A_695 : f32 to vector<8x512xf32>
    %mul3A_697 = arith.mulf %mul3A_696, %add3A_694 : vector<8x512xf32>
    %add3A_698 = arith.addf %mul3A_697, %sub3A_57 : vector<8x512xf32>
    %reduce_max3A_699 = arith.constant dense<0xFF800000> : vector<512xf32>
    %reduce_max3A_700 = vector.multi_reduction <maximumf>, %add3A_698, %reduce_max3A_699 [0] : vector<8x512xf32> to vector<512xf32>
    %broadcast_in_dim3A_701 = vector.shape_cast %reduce_max3A_700 : vector<512xf32> to vector<1x512xf32>
    %sub3A_702 = vector.broadcast %broadcast_in_dim3A_701 : vector<1x512xf32> to vector<8x512xf32>
    %sub3A_703 = arith.subf %add3A_698, %sub3A_702 : vector<8x512xf32>
    %exp3A_704 = math.exp %sub3A_703 : vector<8x512xf32>
    %reduce_sum3A_705 = arith.constant dense<0.000000e+00> : vector<512xf32>
    %reduce_sum3A_706 = vector.multi_reduction <add>, %exp3A_704, %reduce_sum3A_705 [0] : vector<8x512xf32> to vector<512xf32>
    %broadcast_in_dim3A_707 = vector.shape_cast %reduce_sum3A_706 : vector<512xf32> to vector<1x512xf32>
    %log3A_708 = math.log %broadcast_in_dim3A_707 : vector<1x512xf32>
    %add3A_709 = arith.addf %broadcast_in_dim3A_701, %log3A_708 : vector<1x512xf32>
    %add3A_710 = arith.addf %add3A_637, %add3A_709 : vector<1x512xf32>
    %sub3A_711 = vector.broadcast %mul3A_656 : vector<1x512xf32> to vector<8x512xf32>
    %sub3A_712 = arith.subf %slice3A_11, %sub3A_711 : vector<8x512xf32>
    %abs3A_713 = math.absf %sub3A_712 : vector<8x512xf32>
    %mul3A_714 = arith.mulf %exp3A_704, %abs3A_713 : vector<8x512xf32>
    %reduce_sum3A_715 = arith.constant dense<0.000000e+00> : vector<512xf32>
    %reduce_sum3A_716 = vector.multi_reduction <add>, %mul3A_714, %reduce_sum3A_715 [0] : vector<8x512xf32> to vector<512xf32>
    %broadcast_in_dim3A_717 = vector.shape_cast %reduce_sum3A_716 : vector<512xf32> to vector<1x512xf32>
    %div3A_718 = arith.divf %broadcast_in_dim3A_717, %broadcast_in_dim3A_707 : vector<1x512xf32>
    %add3A_719 = arith.addf %add3A_646, %div3A_718 : vector<1x512xf32>
    %slice3A_720 = vector.extract_strided_slice %get3A_60 {offsets = [291, 0], sizes = [1, 512], strides = [1, 1]} : vector<320x512xf32> to vector<1x512xf32>
    %slice3A_721 = vector.extract_strided_slice %get3A_60 {offsets = [295, 0], sizes = [1, 512], strides = [1, 1]} : vector<320x512xf32> to vector<1x512xf32>
    %add3A_722 = arith.addf %slice3A_720, %slice3A_721 : vector<1x512xf32>
    %slice3A_723 = vector.extract_strided_slice %get3A_60 {offsets = [299, 0], sizes = [1, 512], strides = [1, 1]} : vector<320x512xf32> to vector<1x512xf32>
    %add3A_724 = arith.addf %add3A_722, %slice3A_723 : vector<1x512xf32>
    %slice3A_725 = vector.extract_strided_slice %get3A_60 {offsets = [303, 0], sizes = [1, 512], strides = [1, 1]} : vector<320x512xf32> to vector<1x512xf32>
    %add3A_726 = arith.addf %add3A_724, %slice3A_725 : vector<1x512xf32>
    %mul3A_727 = arith.constant 2.500000e-01 : f32
    %mul3A_728 = vector.broadcast %mul3A_727 : f32 to vector<1x512xf32>
    %mul3A_729 = arith.mulf %add3A_726, %mul3A_728 : vector<1x512xf32>
    %slice3A_730 = vector.extract_strided_slice %get3A_60 {offsets = [306, 0], sizes = [1, 512], strides = [1, 1]} : vector<320x512xf32> to vector<1x512xf32>
    %sub3A_731 = arith.subf %slice3A_730, %slice3A_14 : vector<1x512xf32>
    %slice3A_732 = vector.extract_strided_slice %get3A_60 {offsets = [305, 0], sizes = [1, 512], strides = [1, 1]} : vector<320x512xf32> to vector<1x512xf32>
    %sub3A_733 = arith.subf %slice3A_732, %slice3A_13 : vector<1x512xf32>
    %slice3A_734 = vector.extract_strided_slice %get3A_60 {offsets = [304, 0], sizes = [1, 512], strides = [1, 1]} : vector<320x512xf32> to vector<1x512xf32>
    %sub3A_735 = arith.subf %slice3A_734, %slice3A_12 : vector<1x512xf32>
    %sub3A_736 = vector.broadcast %sub3A_731 : vector<1x512xf32> to vector<8x512xf32>
    %sub3A_737 = arith.subf %sub3A_736, %slice3A : vector<8x512xf32>
    %integer_pow3A_738 = arith.mulf %sub3A_737, %sub3A_737 : vector<8x512xf32>
    %mul3A_739 = arith.mulf %integer_pow3A_738, %div3A_28 : vector<8x512xf32>
    %mul3A_740 = arith.constant 2.000000e+00 : f32
    %mul3A_741 = vector.broadcast %mul3A_740 : f32 to vector<8x512xf32>
    %mul3A_742 = arith.mulf %mul3A_741, %slice3A_6 : vector<8x512xf32>
    %add3A_743 = arith.addf %mul3A_739, %mul3A_742 : vector<8x512xf32>
    %add3A_744 = arith.constant 0.000000e+00 : f32
    %add3A_745 = vector.broadcast %add3A_744 : f32 to vector<8x512xf32>
    %add3A_746 = arith.addf %add3A_745, %add3A_743 : vector<8x512xf32>
    %sub3A_747 = vector.broadcast %sub3A_733 : vector<1x512xf32> to vector<8x512xf32>
    %sub3A_748 = arith.subf %sub3A_747, %slice3A_4 : vector<8x512xf32>
    %integer_pow3A_749 = arith.mulf %sub3A_748, %sub3A_748 : vector<8x512xf32>
    %mul3A_750 = arith.mulf %integer_pow3A_749, %div3A_38 : vector<8x512xf32>
    %mul3A_751 = arith.constant 2.000000e+00 : f32
    %mul3A_752 = vector.broadcast %mul3A_751 : f32 to vector<8x512xf32>
    %mul3A_753 = arith.mulf %mul3A_752, %slice3A_7 : vector<8x512xf32>
    %add3A_754 = arith.addf %mul3A_750, %mul3A_753 : vector<8x512xf32>
    %add3A_755 = arith.addf %add3A_746, %add3A_754 : vector<8x512xf32>
    %sub3A_756 = vector.broadcast %sub3A_735 : vector<1x512xf32> to vector<8x512xf32>
    %sub3A_757 = arith.subf %sub3A_756, %slice3A_5 : vector<8x512xf32>
    %integer_pow3A_758 = arith.mulf %sub3A_757, %sub3A_757 : vector<8x512xf32>
    %mul3A_759 = arith.mulf %integer_pow3A_758, %div3A_48 : vector<8x512xf32>
    %mul3A_760 = arith.constant 2.000000e+00 : f32
    %mul3A_761 = vector.broadcast %mul3A_760 : f32 to vector<8x512xf32>
    %mul3A_762 = arith.mulf %mul3A_761, %slice3A_8 : vector<8x512xf32>
    %add3A_763 = arith.addf %mul3A_759, %mul3A_762 : vector<8x512xf32>
    %add3A_764 = arith.addf %add3A_755, %add3A_763 : vector<8x512xf32>
    %add3A_765 = arith.constant 5.51363134 : f32
    %add3A_766 = vector.broadcast %add3A_765 : f32 to vector<8x512xf32>
    %add3A_767 = arith.addf %add3A_764, %add3A_766 : vector<8x512xf32>
    %mul3A_768 = arith.constant -5.000000e-01 : f32
    %mul3A_769 = vector.broadcast %mul3A_768 : f32 to vector<8x512xf32>
    %mul3A_770 = arith.mulf %mul3A_769, %add3A_767 : vector<8x512xf32>
    %add3A_771 = arith.addf %mul3A_770, %sub3A_57 : vector<8x512xf32>
    %reduce_max3A_772 = arith.constant dense<0xFF800000> : vector<512xf32>
    %reduce_max3A_773 = vector.multi_reduction <maximumf>, %add3A_771, %reduce_max3A_772 [0] : vector<8x512xf32> to vector<512xf32>
    %broadcast_in_dim3A_774 = vector.shape_cast %reduce_max3A_773 : vector<512xf32> to vector<1x512xf32>
    %sub3A_775 = vector.broadcast %broadcast_in_dim3A_774 : vector<1x512xf32> to vector<8x512xf32>
    %sub3A_776 = arith.subf %add3A_771, %sub3A_775 : vector<8x512xf32>
    %exp3A_777 = math.exp %sub3A_776 : vector<8x512xf32>
    %reduce_sum3A_778 = arith.constant dense<0.000000e+00> : vector<512xf32>
    %reduce_sum3A_779 = vector.multi_reduction <add>, %exp3A_777, %reduce_sum3A_778 [0] : vector<8x512xf32> to vector<512xf32>
    %broadcast_in_dim3A_780 = vector.shape_cast %reduce_sum3A_779 : vector<512xf32> to vector<1x512xf32>
    %log3A_781 = math.log %broadcast_in_dim3A_780 : vector<1x512xf32>
    %add3A_782 = arith.addf %broadcast_in_dim3A_774, %log3A_781 : vector<1x512xf32>
    %add3A_783 = arith.addf %add3A_710, %add3A_782 : vector<1x512xf32>
    %sub3A_784 = vector.broadcast %mul3A_729 : vector<1x512xf32> to vector<8x512xf32>
    %sub3A_785 = arith.subf %slice3A_11, %sub3A_784 : vector<8x512xf32>
    %abs3A_786 = math.absf %sub3A_785 : vector<8x512xf32>
    %mul3A_787 = arith.mulf %exp3A_777, %abs3A_786 : vector<8x512xf32>
    %reduce_sum3A_788 = arith.constant dense<0.000000e+00> : vector<512xf32>
    %reduce_sum3A_789 = vector.multi_reduction <add>, %mul3A_787, %reduce_sum3A_788 [0] : vector<8x512xf32> to vector<512xf32>
    %broadcast_in_dim3A_790 = vector.shape_cast %reduce_sum3A_789 : vector<512xf32> to vector<1x512xf32>
    %div3A_791 = arith.divf %broadcast_in_dim3A_790, %broadcast_in_dim3A_780 : vector<1x512xf32>
    %add3A_792 = arith.addf %add3A_719, %div3A_791 : vector<1x512xf32>
    %reduce_max3A_793 = arith.constant dense<0xFF800000> : vector<512xf32>
    %reduce_max3A_794 = vector.multi_reduction <maximumf>, %slice3A_10, %reduce_max3A_793 [0] : vector<8x512xf32> to vector<512xf32>
    %broadcast_in_dim3A_795 = vector.shape_cast %reduce_max3A_794 : vector<512xf32> to vector<1x512xf32>
    %neg3A = arith.constant 0.000000e+00 : f32
    %neg3A_796 = vector.broadcast %neg3A : f32 to vector<1x512xf32>
    %neg3A_797 = arith.subf %neg3A_796, %broadcast_in_dim3A_795 : vector<1x512xf32>
    %max3A = arith.constant 0.000000e+00 : f32
    %max3A_798 = vector.broadcast %max3A : f32 to vector<1x512xf32>
    %max3A_799 = arith.maximumf %neg3A_797, %max3A_798 : vector<1x512xf32>
    %abs3A_800 = math.absf %neg3A_797 : vector<1x512xf32>
    %neg3A_801 = arith.constant 0.000000e+00 : f32
    %neg3A_802 = vector.broadcast %neg3A_801 : f32 to vector<1x512xf32>
    %neg3A_803 = arith.subf %neg3A_802, %abs3A_800 : vector<1x512xf32>
    %exp3A_804 = math.exp %neg3A_803 : vector<1x512xf32>
    %add3A_805 = arith.constant 1.000000e+00 : f32
    %add3A_806 = vector.broadcast %add3A_805 : f32 to vector<1x512xf32>
    %add3A_807 = arith.addf %add3A_806, %exp3A_804 : vector<1x512xf32>
    %log3A_808 = math.log %add3A_807 : vector<1x512xf32>
    %add3A_809 = arith.addf %max3A_799, %log3A_808 : vector<1x512xf32>
    %mul3A_810 = arith.mulf %add3A_809, %convert_element_type3A_20 : vector<1x512xf32>
    %reduce_sum3A_811 = vector.shape_cast %mul3A_810 : vector<1x512xf32> to vector<1x1x512xf32>
    %reduce_sum3A_812 = arith.constant dense<0.000000e+00> : vector<1xf32>
    %reduce_sum3A_813 = vector.multi_reduction <add>, %reduce_sum3A_811, %reduce_sum3A_812 [1, 2] : vector<1x1x512xf32> to vector<1xf32>
    %reduce_sum3A_814 = vector.shape_cast %reduce_sum3A_813 : vector<1xf32> to vector<1x1x1xf32>
    %reduce_sum3A_815 = vector.extract %reduce_sum3A_814[0, 0, 0] : f32 from vector<1x1x1xf32>
    %mul3A_816 = arith.constant 4.000000e-05 : f32
    %mul3A_817 = arith.mulf %mul3A_816, %reduce_sum3A_815 : f32
    %mul3A_818 = arith.mulf %add3A_783, %convert_element_type3A_20 : vector<1x512xf32>
    %reduce_sum3A_819 = vector.shape_cast %mul3A_818 : vector<1x512xf32> to vector<1x1x512xf32>
    %reduce_sum3A_820 = arith.constant dense<0.000000e+00> : vector<1xf32>
    %reduce_sum3A_821 = vector.multi_reduction <add>, %reduce_sum3A_819, %reduce_sum3A_820 [1, 2] : vector<1x1x512xf32> to vector<1xf32>
    %reduce_sum3A_822 = vector.shape_cast %reduce_sum3A_821 : vector<1xf32> to vector<1x1x1xf32>
    %reduce_sum3A_823 = vector.extract %reduce_sum3A_822[0, 0, 0] : f32 from vector<1x1x1xf32>
    %mul3A_824 = arith.constant -2.000000e-05 : f32
    %mul3A_825 = arith.mulf %mul3A_824, %reduce_sum3A_823 : f32
    %add3A_826 = arith.addf %mul3A_817, %mul3A_825 : f32
    %mul3A_827 = arith.mulf %add3A_792, %convert_element_type3A_20 : vector<1x512xf32>
    %reduce_sum3A_828 = vector.shape_cast %mul3A_827 : vector<1x512xf32> to vector<1x1x512xf32>
    %reduce_sum3A_829 = arith.constant dense<0.000000e+00> : vector<1xf32>
    %reduce_sum3A_830 = vector.multi_reduction <add>, %reduce_sum3A_828, %reduce_sum3A_829 [1, 2] : vector<1x1x512xf32> to vector<1xf32>
    %reduce_sum3A_831 = vector.shape_cast %reduce_sum3A_830 : vector<1xf32> to vector<1x1x1xf32>
    %reduce_sum3A_832 = vector.extract %reduce_sum3A_831[0, 0, 0] : f32 from vector<1x1x1xf32>
    %mul3A_833 = arith.constant 2.500000e-07 : f32
    %mul3A_834 = arith.mulf %mul3A_833, %reduce_sum3A_832 : f32
    %add3A_835 = arith.addf %add3A_826, %mul3A_834 : f32
    %get3A_836 = arith.constant 0 : index
    %get3A_837 = arith.constant 0 : index
    %get3A_838 = vector.load %arg3[%get3A_836, %get3A_837] : memref<1x1xf32, #tpu.memory_space<vmem>>, vector<1x1xf32>
    %reshape3A = vector.broadcast %add3A_835 : f32 to vector<1x1xf32>
    %add3A_839 = arith.addf %get3A_838, %reshape3A : vector<1x1xf32>
    %swap3A = arith.constant 0 : index
    %swap3A_840 = arith.constant 0 : index
    %swap3A_841 = vector.load %arg3[%swap3A, %swap3A_840] : memref<1x1xf32, #tpu.memory_space<vmem>>, vector<1x1xf32>
    tpu.vector_store %arg3[%swap3A, %swap3A_840], %add3A_839 {strides = array<i32>} : memref<1x1xf32, #tpu.memory_space<vmem>>, vector<1x1xf32>,
    return
  }
  func.func @transform_0(%arg0: i32) -> (i32, i32) {
    %c0_i32 = arith.constant 0 : i32
    %c0_i32_0 = arith.constant 0 : i32
    return %c0_i32, %arg0 : i32, i32
  }
  func.func @transform_1(%arg0: i32) -> (i32, i32) {
    %c0_i32 = arith.constant 0 : i32
    %c0_i32_0 = arith.constant 0 : i32
    return %c0_i32, %arg0 : i32, i32
  }
  func.func @transform_2(%arg0: i32) -> (i32, i32) {
    %c0_i32 = arith.constant 0 : i32
    %c0_i32_0 = arith.constant 0 : i32
    %c0_i32_1 = arith.constant 0 : i32
    return %c0_i32, %c0_i32_0 : i32, i32
  }
}

</mosaic_0001>

<sc_bundles>
// kernel: kernel.5.cloned.1.call-start
scs
__scs_entry_jumppad:
0x0: {  	(pc) =	sbr.rel $0x88, $3  }
0x1: {  	(tag) =	ssettag $0x0;
	lr =	simm.s32 $0x1  }
0x2: {  	[smem:$0x3F99] =	sst lr;
	_ =	strace $0xD0000000  }
0x3: {  	_ = 	snop  }
0x4: {  	_ = 	snop  }
0x5: {  	_ = 	snop  }
0x6: {  	_ = 	snop  }
0x7: {  	_ = 	snop  }
__scs_overlays_trampoline_lowered:
0x8: {  	[smem:$0x3FA8] =	sst s0  }
0x9: {  	[smem:$0x3FA9] =	sst s1  }
0xa: {  	[smem:$0x3FAA] =	sst s2  }
0xb: {  	[smem:$0x3FAB] =	sst s3  }
0xc: {  	[smem:$0x3FAC] =	sst s4  }
0xd: {  	[smem:$0x3FAD] =	sst s5  }
0xe: {  	[smem:$0x3FAE] =	sst s6  }
0xf: {  	[smem:$0x3FAF] =	sst s7  }
0x10: {  	[smem:$0x3FB0] =	sst s8  }
0x11: {  	[smem:$0x3FB1] =	sst s9;
	s0 =	simm.s32 @!p0 $0x0  }
0x12: {  	s1 =	sld [smem:$0x3F97];
	s0 =	simm.s32 @p0 $0x1  }
0x13: {  	[smem:$0x3FB2] =	sst s0;
	s0 =	simm.s32 @!p1 $0x0  }
0x14: {  	s2 =	sld [smem:$0x3F96];
	s0 =	simm.s32 @p1 $0x1  }
0x15: {  	[smem:$0x3FB3] =	sst s0;
	s0 =	simm.s32 @!p2 $0x0  }
0x16: {  	s3 =	sld [smem:$0x3FDB];
	s0 =	simm.s32 @p2 $0x1  }
0x17: {  	s4 =	simm.s32 $0x1BF5;
	[smem:$0x3FB5] =	sst s0  }
0x18: {  	s0 =	sld [smem:$0x3F98];
	_ =	swait.ge [sflag:s4], $0x0  }
0x19: {  	s7 =	sld [smem:$0x3F99]  }
0x1a: {  	s8 =	sadd.s32 $0xFFFFE003, lr  }
0x1b: {  	s9 =	sadd.s32 $0xFFFFFEF7, lr;
	s5 =	simm.s32 $0xFFFFFFFF;
	p2 =	slt.u32 s8, $0xFFFFF086  }
0x1c: {  	p1 =	slt.u32 s9, $0xF7A;
	s5 =	simm.s32 @!p2 $0x0  }
0x1d: {  	s5 =	simm.s32 @p1 $0x1;
	p0 =	seq.s32 s7, s2  }
0x1e: {  	s7 =	smul.u32 @!p0 $0xF7A, s2;
	p2 =	seq.s32 @!p0 s5, $0x0  }
0x1f: {  	s9 =	smul.u32 $0xF7A, s1;
	s8 =	simm.s32 @!p0 $0x1BF5;
	p2 =	por !p2, p0  }
0x20: {  	[sflag:s8] =	ssyncset.s32 @!p0 $0xFFFFF086;
	s6 =	sadd.s32 @!p0 s3, s7;
	s7 =	simm.s32 @!p0 $0x108  }
0x21: {  	s3 =	sadd.s32 s3, s9;
	s6 =	sadd.s32 @!p0 $0x88, s6;
	s7 =	simm.s32 @p2 $0x1082  }
0x22: {  	[simem:s7], [sflag:s8] =	dma.local @!p0 [hbm:s6], $0xF7A  }
0x23: {  	s9 =	sor.u32 $0xD0000000, s2;
	s6 =	simm.s32 $0x108;
	_ =	swait.ge @!p0 [sflag:s8], $0x0  }
0x24: {  	s3 =	sadd.s32 $0x88, s3;
	s6 =	simm.s32 @!p1 $0x1082;
	[sflag:s4] =	ssyncset.s32 $0xFFFFF086  }
0x25: {  	[simem:s6], [sflag:s4] =	dma.local [hbm:s3], $0xF7A  }
0x26: {  	[smem:$0x3F99] =	sst s1;
	(tag) =	ssettag s2;
	_ =	strace s9  }
0x27: {  	s1 =	sld [smem:$0x3FA9]  }
0x28: {  	s2 =	sld [smem:$0x3FAA]  }
0x29: {  	s4 =	sld [smem:$0x3FAC]  }
0x2a: {  	p0 =	seq.s32 s5, $0x0;
	s5 =	sld [smem:$0x3FAD]  }
0x2b: {  	s6 =	sld [smem:$0x3FAE]  }
0x2c: {  	s7 =	sld [smem:$0x3FAF]  }
0x2d: {  	s3 =	simm.s32 $0x108;
	s8 =	sld [smem:$0x3FB0]  }
0x2e: {  	s3 =	simm.s32 @!p0 $0x1082;
	s9 =	sld [smem:$0x3FB1]  }
0x2f: {  	lr =	sadd.s32 s0, s3;
	s0 =	sld [smem:$0x3FA8]  }
0x30: {  	s3 =	sld [smem:$0x3FAB]  }
0x31: {  	[smem:$0x3FB4] =	sst s10  }
0x32: {  	s10 =	sld [smem:$0x3FB2];
	_ =	sdelay $0x3  }
0x33: {  	p0 =	seq.s32 s10, $0x1;
	s10 =	sld [smem:$0x3FB4];
	_ =	sdelay $0x3  }
0x34: {  	[smem:$0x3FB4] =	sst s10  }
0x35: {  	s10 =	sld [smem:$0x3FB3];
	_ =	sdelay $0x3  }
0x36: {  	p1 =	seq.s32 s10, $0x1;
	s10 =	sld [smem:$0x3FB4];
	_ =	sdelay $0x3  }
0x37: {  	[smem:$0x3FB4] =	sst s10  }
0x38: {  	s10 =	sld [smem:$0x3FB5]  }
0x39: {  	_ = 	snop;
	(pc) =	sbr.ind lr, $3  }
0x3a: {  	_ = 	snop  }
0x3b: {  	_ = 	snop  }
0x3c: {  	p2 =	seq.s32 s10, $0x1;
	s10 =	sld [smem:$0x3FB4]  }
0x3d: {  	_ =	shalt  }
0x3e: {  	_ =	shalt  }
0x3f: {  	_ =	shalt  }
0x40: {  	_ =	shalt  }
0x41: {  	_ =	shalt  }
0x42: {  	_ =	shalt  }
0x43: {  	_ =	shalt  }
0x44: {  	_ =	shalt  }
0x45: {  	_ =	shalt  }
0x46: {  	_ =	shalt  }
0x47: {  	_ =	shalt  }
0x48: {  	_ =	shalt  }
0x49: {  	_ =	shalt  }
0x4a: {  	_ =	shalt  }
0x4b: {  	_ =	shalt  }
0x4c: {  	_ =	shalt  }
0x4d: {  	_ =	shalt  }
0x4e: {  	_ =	shalt  }
0x4f: {  	_ =	shalt  }
0x50: {  	_ =	shalt  }
0x51: {  	_ =	shalt  }
0x52: {  	_ =	shalt  }
0x53: {  	_ =	shalt  }
0x54: {  	_ =	shalt  }
0x55: {  	_ =	shalt  }
0x56: {  	_ =	shalt  }
0x57: {  	_ =	shalt  }
0x58: {  	_ =	shalt  }
0x59: {  	_ =	shalt  }
0x5a: {  	_ =	shalt  }
0x5b: {  	_ =	shalt  }
0x5c: {  	_ =	shalt  }
0x5d: {  	_ =	shalt  }
0x5e: {  	_ =	shalt  }
0x5f: {  	_ =	shalt  }
0x60: {  	_ =	shalt  }
0x61: {  	_ =	shalt  }
0x62: {  	_ =	shalt  }
0x63: {  	_ =	shalt  }
0x64: {  	_ =	shalt  }
0x65: {  	_ =	shalt  }
0x66: {  	_ =	shalt  }
0x67: {  	_ =	shalt  }
0x68: {  	_ =	shalt  }
0x69: {  	_ =	shalt  }
0x6a: {  	_ =	shalt  }
0x6b: {  	_ =	shalt  }
0x6c: {  	_ =	shalt  }
0x6d: {  	_ =	shalt  }
0x6e: {  	_ =	shalt  }
0x6f: {  	_ =	shalt  }
0x70: {  	_ =	shalt  }
0x71: {  	_ =	shalt  }
0x72: {  	_ =	shalt  }
0x73: {  	_ =	shalt  }
0x74: {  	_ =	shalt  }
0x75: {  	_ =	shalt  }
0x76: {  	_ =	shalt  }
0x77: {  	_ =	shalt  }
0x78: {  	_ =	shalt  }
0x79: {  	_ =	shalt  }
0x7a: {  	_ =	shalt  }
0x7b: {  	_ =	shalt  }
0x7c: {  	_ =	shalt  }
0x7d: {  	_ =	shalt  }
0x7e: {  	_ =	shalt  }
0x7f: {  	_ =	shalt  }
0x80: {  	_ =	shalt  }
0x81: {  	_ =	shalt  }
0x82: {  	_ =	shalt  }
0x83: {  	_ =	shalt  }
0x84: {  	_ =	shalt  }
0x85: {  	_ =	shalt  }
0x86: {  	_ =	shalt  }
0x87: {  	_ =	shalt  }
.Lfunc_end0:
.L_simem_size_0:
called_computation_lowered:
.L_overlay_start_0:
0x88: {  	s2 =	sld [smem:$0x3FD9]  }
0x89: {  	s3 =	sld [smem:$0x3FFE];
	_ =	sdelay $0x1  }
0x8a: {  	s1 =	srdreg.scid  }
0x8b: {  	s0 =	sand.u32 $0x1, s1  }
0x8c: {  	s16 =	sshll.u32 s0, $0xA;
	s2 =	sadd.s32 s3, s2  }
0x8d: {  	s2 =	sadd.s32 s2, s16  }
0x8e: {  	[smem:$0x3FC0] =	sst s2  }
0x8f: {  	_ = 	snop  }
0x90: {  	(tm) =	ssettm $0x1  }
0x91: {  	s17 =	sld [smem:$0x3FFB];
	_ =	sdelay $0x3  }
0x92: {  	_ =	strace s17  }
0x93: {  	s2 =	sld [smem:$0x3FFC];
	_ =	sdelay $0x3  }
0x94: {  	_ =	strace s2  }
0x95: {  	s2 =	sld [smem:$0x3FFD];
	_ =	sdelay $0x3  }
0x96: {  	_ =	strace s2  }
0x97: {  	_ =	strace $0x8FFFFFFF  }
0x98: {  	s18 =	sld [smem:$0x3FDB];
	_ =	sdelay $0x1  }
0x99: {  	s19 =	simm.s32 $_scs_section_size  }
0x9a: {  	s4 =	simm.s32 $_size__tile_overlayer_lowered;
	s5 =	simm.s32 $_tile_overlayer_lowered  }
0x9b: {  	s22 =	simm.s32 $0x1BFF;
	s21 =	sshll.u32 s5, $0x1;
	s2 =	sadd.s32 s19, s18  }
0x9c: {  	s6 =	simm.s32 $0x0;
	s20 =	sshll.u32 s4, $0x1;
	s4 =	sadd.s32 s21, s2  }
0x9d: {  	[timem:s6], [sflag:s22] =	dma.local [hbm:s4], s20  }
0x9e: {  	_ =	swait.ge [sflag:s22], s20  }
0x9f: {  	s3 =	ssub.s32 $0x0, s20;
	[sflag:s22] =	ssyncset.done $0x0  }
0xa0: {  	[sflag:s22] =	ssyncadd.s32 s3;
	_ =	sdelay $0x1  }
0xa1: {  	s23 =	simm.s32 $0x1B8B  }
0xa2: {  	_ =	swait.ge [sflag:s23], $0x1  }
0xa3: {  	[sflag:s23] =	ssyncset.done $0x0  }
0xa4: {  	s25 =	simm.s32 $0x1B8E;
	s24 =	sld [smem:$0x3FFE];
	[sflag:s23] =	ssyncadd.s32 $0xFFFFFFFF  }
0xa5: {  	s26 =	simm.s32 $execute0_lowered;
	[smem:$0x3FD2] =	sst s25  }
0xa6: {  	s4 =	sshll.u32 s26, $0x1;
	_ =	strace $0x80000046;
	[dreg:$0x1] =	wrdreg $0xFFFFFFFF  }
0xa7: {  	s28 =	simm.s32 $_size_execute0_lowered;
	s2 =	sadd.s32 s2, s4;
	[dreg:$0x0] =	wrdreg $0x0  }
0xa8: {  	s4 =	sshll.u32 s28, $0x1;
	[dreg:$0x2] =	wrdreg s2  }
0xa9: {  	[dreg:$0x3] =	wrdreg s4  }
0xaa: {  	[dreg:$0x4] =	wrdreg $0xC0  }
0xab: {  	_ =	task [dreg:s6], $0x5FFFF  }
0xac: {  	[dreg:$0x1] =	wrdreg $0xFFFFFFFF  }
0xad: {  	[dreg:$0x0] =	wrdreg $0x60  }
0xae: {  	[dreg:$0x2] =	wrdreg s24  }
0xaf: {  	[dreg:$0x3] =	wrdreg $0x9  }
0xb0: {  	_ =	task.clear_ibuf [dreg:s6], $0x4FFFF;
	_ =	strace $0x90000046  }
0xb1: {  	s29 =	simm.s32 $0x9;
	_ =	strace $0x80000048  }
0xb2: {  	_ =	swait.ge [sflag:s29], $0x1  }
0xb3: {  	[sflag:s29] =	ssyncadd.s32 $0xFFFFFFFF  }
0xb4: {  	_ =	strace $0x90000048  }
0xb5: {  	_ =	sfence  }
0xb6: {  	s30 =	sld [smem:$0x0];
	_ =	sdelay $0x2  }
0xb7: {  	s31 =	sshll.u32 s1, $0xD;
	s1 =	sshrl.u32 s1, $0x2  }
0xb8: {  	s3 =	sand.u32 $0x4000, s31;
	s1 =	sadd.s32 s1, s30  }
0xb9: {  	s0 =	sor.u32 s3, s0;
	s1 =	sshll.u32 s1, $0x11  }
0xba: {  	s0 =	sor.u32 s1, s0  }
0xbb: {  	s0 =	sadd.s32 $0x8F2B, s0  }
0xbc: {  	[sflag:s0] =	ssyncadd.remote.s32 $0x1  }
0xbd: {  	_ =	sfence.sel $0xFFFF  }
0xbe: {  	[dreg:$0x0] =	wrdreg $0xFFFFFFFF;
	(pc) =	sbr.abs _section_cstart, $3  }
0xbf: {  	[dreg:$0x1] =	wrdreg $0xFFFFFFFF  }
0xc0: {  	_ =	task.clear_ibuf [dreg:s6], $0x2FFFF;
	_ =	strace $0x9FFFFFFF  }
0xc1: {  	(tm) =	ssettm $0x7FFFFFFF  }
tec
execute0_lowered:
.L_overlay_start_1:
0x0: {  	(tag) =	ssettag $0x1  }
0x1: {  	s1 =	srdreg.scid  }
0x2: {  	s0 =	stileid.u32;
	s6 =	sand.u32 $0x1, s1  }
0x3: {  	s8 =	rddreg [dreg:$0x0];
	s30 =	sshll.u32 s0, $0xC;
	s2 =	sshll.u32 s6, $0xB  }
0x4: {  	s7 =	simm.s32 $0x1;
	s1 =	rddreg [dreg:$0x1];
	s9 =	sor.u32 s2, s30  }
0x5: {  	s5 =	sadd.s32 $0x1400, s8;
	s2 =	simm.s32 $0x0;
	s3 =	sshrl.u32 s9, $0x3  }
0x6: {  	s10 =	ssub.s32 $0x2, s6;
	[smem:$0x7FF] =	sst s2;
	s3 =	sadd.s32 s3, s8  }
0x7: {  	_ =	strace $0x80000047;
	s4 =	sadd.s32 $0x14E00, s3;
	s3 =	simm.s32 $0x2  }
0x8: {  	[tilespmem:s2], [sflag:$0x2] =	stream.linear.gather [hbm4b:s4+s2], $0x800, $0x38;
	[tilespmem:$0x10800] =	vst v63  }
0x9: {  	s6 =	simm.s32 $0x800;
	s11 =	sshrl.u32 s10, $0x1;
	_ =	swait.ge [sflag:s3], $0x800  }
0xa: {  	s9 =	sshll.u32 s9, $0x2;
	s31 =	ssub.s32 s10, s11;
	[sflag:s3] =	ssyncset.done $0x0  }
0xb: {  	s8 =	sadd.s32 s9, s8;
	s9 =	smax.u32 s31, $0x1;
	[sflag:s3] =	ssyncadd.s32 $0xFFFFF800  }
0xc: {  	[tilespmem:s6], [sflag:$0x1] =	stream.indirect.gather [hbm4b:s5+s6], $0x20, s2, s6, $0xb8;
	[tilespmem:$0x10800] =	vst v63  }
0xd: {  	p0 =	sne.s32 s9, $0x1;
	_ =	swait.ge [sflag:s7], $0x10000  }
.Ltmp0:
0xe: {  	[sflag:s7] =	ssyncset.done $0x0;
	(pc) =	sbr.rel @!p0 .LBB2_2-.Ltmp0, $4  }
0xf: {  	s8 =	sadd.s32 $0x16E00, s8;
	[sflag:s7] =	ssyncadd.s32 $0xFFFF0000  }
0x10: {  	[hbm4b:s8+s2] =	stream.linear.scatter [tilespmem:s6], [sflag:$0x2], $0x10000, $0x38;
	[tilespmem:$0x10800] =	vst v63  }
0x11: {  	_ =	swait.ge [sflag:s3], $0x10000  }
0x12: {  	s9 =	sadd.s32 $0xFFFFFFFF, s9;
	[sflag:s3] =	ssyncset.done $0x0  }
.LBB2_1:
0x13: {  	p0 =	sne.s32 s9, $0x1;
	s9 =	sadd.s32 $0xFFFFFFFF, s9;
	[sflag:s3] =	ssyncadd.s32 $0xFFFF0000  }
0x14: {  	[tilespmem:s2], [sflag:$0x2] =	stream.linear.gather [hbm4b:s4+s2], $0x800, $0x38;
	[tilespmem:$0x10800] =	vst v63  }
0x15: {  	_ =	swait.ge [sflag:s3], $0x800  }
0x16: {  	[sflag:s3] =	ssyncset.done $0x0  }
0x17: {  	[sflag:s3] =	ssyncadd.s32 $0xFFFFF800  }
0x18: {  	[tilespmem:s6], [sflag:$0x1] =	stream.indirect.gather [hbm4b:s5+s6], $0x20, s2, s6, $0xb8;
	[tilespmem:$0x10800] =	vst v63  }
0x19: {  	_ =	swait.ge [sflag:s7], $0x10000  }
.Ltmp1:
0x1a: {  	[sflag:s7] =	ssyncset.done $0x0;
	(pc) =	sbr.rel @p0 .LBB2_1-.Ltmp1, $4  }
0x1b: {  	[sflag:s7] =	ssyncadd.s32 $0xFFFF0000  }
0x1c: {  	[hbm4b:s8+s2] =	stream.linear.scatter [tilespmem:s6], [sflag:$0x2], $0x10000, $0x38;
	[tilespmem:$0x10800] =	vst v63  }
0x1d: {  	_ =	swait.ge [sflag:s3], $0x10000  }
0x1e: {  	[sflag:s3] =	ssyncset.done $0x0  }
.LBB2_2:
0x1f: {  	[sflag:s3] =	ssyncadd.s32 $0xFFFF0000  }
0x20: {  	_ =	sfence.sel $0x180000  }
0x21: {  	[bflag:$0x0] =	sbarrier.arrive $0xFFFF  }
0x22: {  	p0 =	sne.s32 s0, $0x0;
	_ =	strace $0x90000047  }
0x23: {  	s0 =	sadd.s32 @!p0 $0x100000, s1;
	[bflag:$0x2] =	sbarrier.arrive $0xFFFF  }
0x24: {  	[sflag:s0] =	ssyncadd.tile.s32 @!p0 $0x1;
	_ =	shalt  }
.Lfunc_end2:
_tile_overlayer_lowered:
.L_overlay_start_2:
0x25: {  	(tag) =	ssettag $0x2  }
0x26: {  	s0 =	rddreg [dreg:$0x0];
	s2 =	stileid.u32  }
0x27: {  	s1 =	rddreg [dreg:$0x1];
	p0 =	sne.s32 s2, $0x0  }
0x28: {  	s3 =	rddreg [dreg:$0x2];
	[bflag:$0x3] =	sbarrier.arrive $0xFFFF;
	s2 =	simm.s32 @!p0 $0x1C02  }
0x29: {  	[timem:s3], [sflag:s2] =	dma.local @!p0 [hbm:s0], s1  }
0x2a: {  	s0 =	simm.s32 @!p0 $0x2  }
0x2b: {  	_ =	swait.ge @!p0 [sflag:s0], s1  }
0x2c: {  	s1 =	ssub.s32 @!p0 $0x0, s1;
	[sflag:s0] =	ssyncset.done @!p0 $0x0  }
0x2d: {  	[sflag:s0] =	ssyncadd.s32 @!p0 s1  }
0x2e: {  	[bflag:$0x3] =	sbarrier.arrive $0xFFFF  }
0x2f: {  	_ =	shalt  }

</sc_bundles>
